<compile_context>
chip_gen: v7x
topology: tpu7x:2x2x1
jax: 0.10.2.dev20260603
libtpu: 0.0.44.dev20260713+nightly
codegen_flags: <defaults>
</compile_context>

<pallas_src>
import functools

import jax
import jax.numpy as jnp
from jax import lax
from jax.experimental import pallas as pl
from jax.experimental.pallas import tpu as pltpu
from jax.experimental.pallas import tpu_sc as plsc

N_FIELDS = 26
VOCAB = 100000
D_EMB = 32
BATCH = 16384

NC = 2
NS = 16
NW = NC * NS
LANES = 16

NU = N_FIELDS * D_EMB
UPW = NU // NW
QB = 4096
NQ = BATCH // QB


def _sc_lookup(x_t, tab2):
    mesh = plsc.VectorSubcoreMesh(core_axis_name="c", subcore_axis_name="s")

    @functools.partial(
        pl.kernel,
        mesh=mesh,
        out_type=jax.ShapeDtypeStruct((NU, BATCH), jnp.float32),
        scratch_types=[
            pltpu.VMEM((VOCAB,), jnp.float32),
            pltpu.VMEM((BATCH,), jnp.int32),
            pltpu.VMEM((QB,), jnp.float32),
            pltpu.VMEM((QB,), jnp.float32),
            pltpu.SemaphoreType.DMA,
            pltpu.SemaphoreType.DMA,
            pltpu.SemaphoreType.DMA,
        ],
        compiler_params=pltpu.CompilerParams(
            use_tc_tiling_on_sc=True, needs_layout_passes=False),
    )
    def k(x_hbm, tab_hbm, out_hbm, vec, xrow, oq0, oq1, vsem, osem0, osem1):
        cid = lax.axis_index("c")
        sid = lax.axis_index("s")
        wid = sid * NC + cid
        u0 = wid * UPW

        def fire_o(u, q, oq, osem):
            pltpu.async_copy(oq, out_hbm.at[u, pl.ds(q * QB, QB)], osem)

        def wait_o(oq, osem):
            pltpu.make_async_copy(oq, out_hbm.at[0, pl.ds(0, QB)], osem).wait()

        def gather_q(q, oq):
            def body(g, carry):
                idx = xrow[pl.ds(q * QB + g * LANES, LANES)]
                oq[pl.ds(g * LANES, LANES)] = plsc.load_gather(vec, [idx])
                return carry

            lax.fori_loop(0, QB // LANES, body, 0, unroll=32)

        def unit_body(j, carry):
            u = u0 + j
            pltpu.async_copy(tab_hbm.at[u], vec, vsem)

            @pl.when((j == 0) | (u % D_EMB == 0))
            def _():
                pltpu.sync_copy(x_hbm.at[u // D_EMB], xrow)

            pltpu.make_async_copy(tab_hbm.at[0], vec, vsem).wait()

            @pl.when(j > 0)
            def _():
                wait_o(oq0, osem0)

            gather_q(0, oq0)
            fire_o(u, 0, oq0, osem0)

            @pl.when(j > 0)
            def _():
                wait_o(oq1, osem1)

            gather_q(1, oq1)
            fire_o(u, 1, oq1, osem1)

            wait_o(oq0, osem0)
            gather_q(2, oq0)
            fire_o(u, 2, oq0, osem0)

            wait_o(oq1, osem1)
            gather_q(3, oq1)
            fire_o(u, 3, oq1, osem1)
            return carry

        lax.fori_loop(0, UPW, unit_body, 0)
        wait_o(oq0, osem0)
        wait_o(oq1, osem1)

    return k(x_t, tab2)


def kernel(x, tables):
    x_t = x.T.astype(jnp.int32)
    tab2 = tables.transpose(0, 2, 1).reshape(NU, VOCAB)
    out_t = _sc_lookup(x_t, tab2)
    return out_t.T.reshape(BATCH, NU)

# --- scband reference (transcript-rebuilt; emitter-appended) ---
"""Pipeline reference for scband-cat-embeddings-15616501088794 (READ-ONLY COPY).

The authoritative reference and input builder live on the scoring server;
editing this copy changes nothing except your own understanding.
"""

import jax, jax.numpy as jnp
import numpy as np
import math

N_FIELDS = 26
VOCAB = 100000
D_EMB = 32
BATCH = 16384


def setup_inputs(seed: int = 0) -> dict:
    key = jax.random.key(seed)
    k_idx, k_tab = jax.random.split(key)
    x = jax.random.randint(k_idx, (BATCH, N_FIELDS), 0, VOCAB, dtype=jnp.int64 if jax.config.jax_enable_x64 else jnp.int32)
    d_sqrt_inv = 1.0 / math.sqrt(D_EMB)
    # one embedding table per categorical feature, initialized uniform(-1/sqrt(d), 1/sqrt(d))
    tables = jax.random.uniform(k_tab, (N_FIELDS, VOCAB, D_EMB), minval=-d_sqrt_inv, maxval=d_sqrt_inv, dtype=jnp.float32)
    return {"x": x, "tables": tables}


def reference(x, tables):
    # CatEmbeddings.forward with stack=False, bias=False:
    # per-column embedding lookup, then concat along feature dim
    outs = []
    for i in range(N_FIELDS):
        col = x[:, i]
        emb = jnp.take(tables[i], col, axis=0)  # [B, D_EMB]
        outs.append(emb)
    return jnp.concatenate(outs, axis=1)  # [B, N_FIELDS * D_EMB]

if __name__ == "__main__":
    import jax
    _d = setup_inputs()
    print(jax.jit(kernel)(*tuple(_d.values())))

</pallas_src>

<mosaic_0001>
#map = affine_map<(d0, d1) -> (0, 0)>
module attributes {stable_mosaic.version = 14 : i64} {
  func.func @k(%arg0: i32, %arg1: i32, %arg2: memref<26x16384xi32, #tpu.memory_space<hbm>>, %arg3: memref<832x100000xf32, #tpu.memory_space<hbm>>, %arg4: memref<832x16384xf32, #tpu.memory_space<hbm>>, %arg5: memref<100000xf32, #tpu.memory_space<vmem>>, %arg6: memref<16384xi32, #tpu.memory_space<vmem>>, %arg7: memref<4096xf32, #tpu.memory_space<vmem>>, %arg8: memref<4096xf32, #tpu.memory_space<vmem>>, %arg9: memref<!tpu.dma_semaphore, #tpu.memory_space<semaphore_mem>>, %arg10: memref<!tpu.dma_semaphore, #tpu.memory_space<semaphore_mem>>, %arg11: memref<!tpu.dma_semaphore, #tpu.memory_space<semaphore_mem>>) attributes {dimension_semantics = [#tpu.dimension_semantics<core_parallel>, #tpu.dimension_semantics<subcore_parallel>], iteration_bounds = array<i64: 2, 16>, scalar_prefetch = 0 : i64, scratch_operands = 7 : i64, tpu.core_type = #tpu.core_type<sc_vector_subcore>, window_params = [{transform_indices = #map}, {transform_indices = #map}, {transform_indices = #map}]} {
    %mul3A = arith.constant 2 : i32
    %mul3A_0 = arith.muli %arg1, %mul3A : i32
    %add3A = arith.addi %mul3A_0, %arg0 : i32
    %mul3A_1 = arith.constant 26 : i32
    %mul3A_2 = arith.muli %add3A, %mul3A_1 : i32
    %scan3A = arith.constant 0 : i32
    %scan3A_3 = arith.constant 0 : i32
    %scan3A_4 = arith.constant 26 : i32
    %scan3A_5 = arith.addi %scan3A_3, %scan3A_4 : i32
    %scan3A_6 = arith.constant 1 : i32
    scf.for %scan3A_21 = %scan3A_3 to %scan3A_5 step %scan3A_6  : i32 {
      %add3A_22 = arith.addi %mul3A_2, %scan3A_21 : i32
      %dma_start3A = arith.constant 0 : i32
      %dma_start3A_23 = tpu.memref_slice %arg3[%add3A_22, %dma_start3A] : memref<832x100000xf32, #tpu.memory_space<hbm>> -> memref<1x100000xf32, #tpu.memory_space<hbm>>
      %dma_start3A_24 = tpu.memref_squeeze %dma_start3A_23 : memref<1x100000xf32, #tpu.memory_space<hbm>> -> memref<100000xf32, #tpu.memory_space<hbm>>
      %dma_start3A_25 = arith.constant 0 : i32
      %dma_start3A_26 = tpu.memref_slice %arg3[%add3A_22, %dma_start3A_25] : memref<832x100000xf32, #tpu.memory_space<hbm>> -> memref<1x100000xf32, #tpu.memory_space<hbm>>
      %dma_start3A_27 = tpu.memref_squeeze %dma_start3A_26 : memref<1x100000xf32, #tpu.memory_space<hbm>> -> memref<100000xf32, #tpu.memory_space<hbm>>
      tpu.enqueue_dma source(%dma_start3A_27 : memref<100000xf32, #tpu.memory_space<hbm>>) target(%arg5 : memref<100000xf32, #tpu.memory_space<vmem>>) target_semaphore(%arg9 : memref<!tpu.dma_semaphore, #tpu.memory_space<semaphore_mem>>)
      %eq3A = arith.constant 0 : i32
      %eq3A_28 = arith.cmpi eq, %scan3A_21, %eq3A : i32
      %jit3A = arith.constant 32 : i32
      %eq3A_29 = arith.constant 0 : i32
      %eq3A_30 = arith.cmpi eq, %jit3A, %eq3A_29 : i32
      %jit3A_31 = arith.constant 1 : i32
      %select_n3A = arith.select %eq3A_30, %jit3A_31, %jit3A : i32
      %rem3A = arith.remsi %add3A_22, %select_n3A : i32
      %ne3A = arith.constant 0 : i32
      %ne3A_32 = arith.cmpi ne, %rem3A, %ne3A : i32
      %lt3A = arith.constant 0 : i32
      %lt3A_33 = arith.cmpi slt, %rem3A, %lt3A : i32
      %lt3A_34 = arith.constant 0 : i32
      %lt3A_35 = arith.cmpi slt, %select_n3A, %lt3A_34 : i32
      %ne3A_36 = arith.xori %lt3A_33, %lt3A_35 : i1
      %and3A = arith.andi %ne3A_36, %ne3A_32 : i1
      %add3A_37 = arith.addi %rem3A, %select_n3A : i32
      %select_n3A_38 = arith.select %and3A, %add3A_37, %rem3A : i32
      %eq3A_39 = arith.constant 0 : i32
      %eq3A_40 = arith.cmpi eq, %select_n3A_38, %eq3A_39 : i32
      %or3A = arith.ori %eq3A_28, %eq3A_40 : i1
      %convert_element_type3A = arith.extui %or3A : i1 to i32
      %cond3A = arith.constant 0 : i32
      %cond3A_41 = arith.cmpi ne, %convert_element_type3A, %cond3A : i32
      scf.if %cond3A_41 {
        %jit3A_120 = arith.constant 32 : i32
        %div3A = arith.divsi %add3A_22, %jit3A_120 : i32
        %sign3A = arith.constant 0 : i32
        %sign3A_121 = arith.cmpi sgt, %add3A_22, %sign3A : i32
        %sign3A_122 = arith.extui %sign3A_121 : i1 to i32
        %sign3A_123 = arith.constant 0 : i32
        %sign3A_124 = arith.cmpi slt, %add3A_22, %sign3A_123 : i32
        %sign3A_125 = arith.extui %sign3A_124 : i1 to i32
        %sign3A_126 = arith.subi %sign3A_122, %sign3A_125 : i32
        %sign3A_127 = arith.constant 0 : i32
        %sign3A_128 = arith.cmpi sgt, %jit3A_120, %sign3A_127 : i32
        %sign3A_129 = arith.extui %sign3A_128 : i1 to i32
        %sign3A_130 = arith.constant 0 : i32
        %sign3A_131 = arith.cmpi slt, %jit3A_120, %sign3A_130 : i32
        %sign3A_132 = arith.extui %sign3A_131 : i1 to i32
        %sign3A_133 = arith.subi %sign3A_129, %sign3A_132 : i32
        %ne3A_134 = arith.cmpi ne, %sign3A_126, %sign3A_133 : i32
        %rem3A_135 = arith.remsi %add3A_22, %jit3A_120 : i32
        %ne3A_136 = arith.constant 0 : i32
        %ne3A_137 = arith.cmpi ne, %rem3A_135, %ne3A_136 : i32
        %and3A_138 = arith.andi %ne3A_134, %ne3A_137 : i1
        %sub3A = arith.constant 1 : i32
        %sub3A_139 = arith.subi %div3A, %sub3A : i32
        %select_n3A_140 = arith.select %and3A_138, %sub3A_139, %div3A : i32
        "tpu.region"() ({
          %run_scoped3A = tpu.sem_alloc : memref<!tpu.dma_semaphore, #tpu.memory_space<semaphore_mem>>
          %dma_start3A_141 = arith.constant 0 : i32
          %dma_start3A_142 = tpu.memref_slice %arg2[%select_n3A_140, %dma_start3A_141] : memref<26x16384xi32, #tpu.memory_space<hbm>> -> memref<1x16384xi32, #tpu.memory_space<hbm>>
          %dma_start3A_143 = tpu.memref_squeeze %dma_start3A_142 : memref<1x16384xi32, #tpu.memory_space<hbm>> -> memref<16384xi32, #tpu.memory_space<hbm>>
          %dma_start3A_144 = arith.constant 0 : i32
          %dma_start3A_145 = tpu.memref_slice %arg2[%select_n3A_140, %dma_start3A_144] : memref<26x16384xi32, #tpu.memory_space<hbm>> -> memref<1x16384xi32, #tpu.memory_space<hbm>>
          %dma_start3A_146 = tpu.memref_squeeze %dma_start3A_145 : memref<1x16384xi32, #tpu.memory_space<hbm>> -> memref<16384xi32, #tpu.memory_space<hbm>>
          tpu.enqueue_dma source(%dma_start3A_146 : memref<16384xi32, #tpu.memory_space<hbm>>) target(%arg6 : memref<16384xi32, #tpu.memory_space<vmem>>) target_semaphore(%run_scoped3A : memref<!tpu.dma_semaphore, #tpu.memory_space<semaphore_mem>>)
          %dma_wait3A_147 = arith.constant 0 : i32
          %dma_wait3A_148 = tpu.memref_slice %arg2[%select_n3A_140, %dma_wait3A_147] : memref<26x16384xi32, #tpu.memory_space<hbm>> -> memref<1x16384xi32, #tpu.memory_space<hbm>>
          %dma_wait3A_149 = tpu.memref_squeeze %dma_wait3A_148 : memref<1x16384xi32, #tpu.memory_space<hbm>> -> memref<16384xi32, #tpu.memory_space<hbm>>
          %dma_wait3A_150 = arith.constant 0 : i32
          %dma_wait3A_151 = tpu.memref_slice %arg2[%select_n3A_140, %dma_wait3A_150] : memref<26x16384xi32, #tpu.memory_space<hbm>> -> memref<1x16384xi32, #tpu.memory_space<hbm>>
          %dma_wait3A_152 = tpu.memref_squeeze %dma_wait3A_151 : memref<1x16384xi32, #tpu.memory_space<hbm>> -> memref<16384xi32, #tpu.memory_space<hbm>>
          tpu.wait_dma2 semaphore(%run_scoped3A : memref<!tpu.dma_semaphore, #tpu.memory_space<semaphore_mem>>) src(%dma_wait3A_152 : memref<16384xi32, #tpu.memory_space<hbm>>) dst(%arg6 : memref<16384xi32, #tpu.memory_space<vmem>>)
          tpu.yield
        }) : () -> ()
      } else {
      }
      %dma_wait3A_42 = arith.constant 0 : i32
      %dma_wait3A_43 = arith.constant 0 : i32
      %dma_wait3A_44 = tpu.memref_slice %arg3[%dma_wait3A_42, %dma_wait3A_43] : memref<832x100000xf32, #tpu.memory_space<hbm>> -> memref<1x100000xf32, #tpu.memory_space<hbm>>
      %dma_wait3A_45 = tpu.memref_squeeze %dma_wait3A_44 : memref<1x100000xf32, #tpu.memory_space<hbm>> -> memref<100000xf32, #tpu.memory_space<hbm>>
      %dma_wait3A_46 = arith.constant 0 : i32
      %dma_wait3A_47 = tpu.memref_slice %arg3[%dma_wait3A_42, %dma_wait3A_46] : memref<832x100000xf32, #tpu.memory_space<hbm>> -> memref<1x100000xf32, #tpu.memory_space<hbm>>
      %dma_wait3A_48 = tpu.memref_squeeze %dma_wait3A_47 : memref<1x100000xf32, #tpu.memory_space<hbm>> -> memref<100000xf32, #tpu.memory_space<hbm>>
      tpu.wait_dma2 semaphore(%arg9 : memref<!tpu.dma_semaphore, #tpu.memory_space<semaphore_mem>>) src(%dma_wait3A_48 : memref<100000xf32, #tpu.memory_space<hbm>>) dst(%arg5 : memref<100000xf32, #tpu.memory_space<vmem>>)
      %gt3A = arith.constant 0 : i32
      %gt3A_49 = arith.cmpi sgt, %scan3A_21, %gt3A : i32
      %convert_element_type3A_50 = arith.extui %gt3A_49 : i1 to i32
      %cond3A_51 = arith.constant 0 : i32
      %cond3A_52 = arith.cmpi ne, %convert_element_type3A_50, %cond3A_51 : i32
      scf.if %cond3A_52 {
        %dma_wait3A_120 = arith.constant 0 : i32
        %dma_wait3A_121 = arith.constant 0 : i32
        %dma_wait3A_122 = tpu.memref_slice %arg4[%dma_wait3A_120, %dma_wait3A_121] : memref<832x16384xf32, #tpu.memory_space<hbm>> -> memref<1x4096xf32, #tpu.memory_space<hbm>>
        %dma_wait3A_123 = tpu.memref_squeeze %dma_wait3A_122 : memref<1x4096xf32, #tpu.memory_space<hbm>> -> memref<4096xf32, #tpu.memory_space<hbm>>
        %dma_wait3A_124 = arith.constant 0 : i32
        %dma_wait3A_125 = tpu.memref_slice %arg4[%dma_wait3A_120, %dma_wait3A_124] : memref<832x16384xf32, #tpu.memory_space<hbm>> -> memref<1x4096xf32, #tpu.memory_space<hbm>>
        %dma_wait3A_126 = tpu.memref_squeeze %dma_wait3A_125 : memref<1x4096xf32, #tpu.memory_space<hbm>> -> memref<4096xf32, #tpu.memory_space<hbm>>
        tpu.wait_dma2 semaphore(%arg10 : memref<!tpu.dma_semaphore, #tpu.memory_space<semaphore_mem>>) src(%arg7 : memref<4096xf32, #tpu.memory_space<vmem>>) dst(%dma_wait3A_126 : memref<4096xf32, #tpu.memory_space<hbm>>)
      } else {
      }
      %scan3A_53 = arith.constant 0 : i32
      %scan3A_54 = arith.constant 0 : i32
      %scan3A_55 = arith.constant 256 : i32
      %scan3A_56 = arith.addi %scan3A_54, %scan3A_55 : i32
      %scan3A_57 = arith.constant 32 : i32
      scf.for %scan3A_120 = %scan3A_54 to %scan3A_56 step %scan3A_57  : i32 {
        %mul3A_121 = arith.constant 16 : i32
        %mul3A_122 = arith.muli %scan3A_120, %mul3A_121 : i32
        %add3A_123 = arith.constant 0 : i32
        %add3A_124 = arith.addi %add3A_123, %mul3A_122 : i32
        %get3A = arith.index_cast %add3A_124 : i32 to index
        %get3A_125 = tpu.vector_load %arg6[%get3A] {strides = array<i32>} : memref<16384xi32, #tpu.memory_space<vmem>>, vector<16xi32>,
        %gather3A = tpu.vector_load_idx %arg5[%get3A_125] : memref<100000xf32, #tpu.memory_space<vmem>>[vector<16xi32>], vector<16xf32>,
        %mul3A_126 = arith.constant 16 : i32
        %mul3A_127 = arith.muli %scan3A_120, %mul3A_126 : i32
        %swap3A = arith.index_cast %mul3A_127 : i32 to index
        %swap3A_128 = tpu.vector_load %arg7[%swap3A] {strides = array<i32>} : memref<4096xf32, #tpu.memory_space<vmem>>, vector<16xf32>,
        tpu.vector_store %arg7[%swap3A], %gather3A {strides = array<i32>} : memref<4096xf32, #tpu.memory_space<vmem>>, vector<16xf32>,
        %scan3A_129 = arith.constant 1 : i32
        %scan3A_130 = arith.addi %scan3A_120, %scan3A_129 : i32
        %mul3A_131 = arith.constant 16 : i32
        %mul3A_132 = arith.muli %scan3A_130, %mul3A_131 : i32
        %add3A_133 = arith.constant 0 : i32
        %add3A_134 = arith.addi %add3A_133, %mul3A_132 : i32
        %get3A_135 = arith.index_cast %add3A_134 : i32 to index
        %get3A_136 = tpu.vector_load %arg6[%get3A_135] {strides = array<i32>} : memref<16384xi32, #tpu.memory_space<vmem>>, vector<16xi32>,
        %gather3A_137 = tpu.vector_load_idx %arg5[%get3A_136] : memref<100000xf32, #tpu.memory_space<vmem>>[vector<16xi32>], vector<16xf32>,
        %mul3A_138 = arith.constant 16 : i32
        %mul3A_139 = arith.muli %scan3A_130, %mul3A_138 : i32
        %swap3A_140 = arith.index_cast %mul3A_139 : i32 to index
        %swap3A_141 = tpu.vector_load %arg7[%swap3A_140] {strides = array<i32>} : memref<4096xf32, #tpu.memory_space<vmem>>, vector<16xf32>,
        tpu.vector_store %arg7[%swap3A_140], %gather3A_137 {strides = array<i32>} : memref<4096xf32, #tpu.memory_space<vmem>>, vector<16xf32>,
        %scan3A_142 = arith.constant 2 : i32
        %scan3A_143 = arith.addi %scan3A_120, %scan3A_142 : i32
        %mul3A_144 = arith.constant 16 : i32
        %mul3A_145 = arith.muli %scan3A_143, %mul3A_144 : i32
        %add3A_146 = arith.constant 0 : i32
        %add3A_147 = arith.addi %add3A_146, %mul3A_145 : i32
        %get3A_148 = arith.index_cast %add3A_147 : i32 to index
        %get3A_149 = tpu.vector_load %arg6[%get3A_148] {strides = array<i32>} : memref<16384xi32, #tpu.memory_space<vmem>>, vector<16xi32>,
        %gather3A_150 = tpu.vector_load_idx %arg5[%get3A_149] : memref<100000xf32, #tpu.memory_space<vmem>>[vector<16xi32>], vector<16xf32>,
        %mul3A_151 = arith.constant 16 : i32
        %mul3A_152 = arith.muli %scan3A_143, %mul3A_151 : i32
        %swap3A_153 = arith.index_cast %mul3A_152 : i32 to index
        %swap3A_154 = tpu.vector_load %arg7[%swap3A_153] {strides = array<i32>} : memref<4096xf32, #tpu.memory_space<vmem>>, vector<16xf32>,
        tpu.vector_store %arg7[%swap3A_153], %gather3A_150 {strides = array<i32>} : memref<4096xf32, #tpu.memory_space<vmem>>, vector<16xf32>,
        %scan3A_155 = arith.constant 3 : i32
        %scan3A_156 = arith.addi %scan3A_120, %scan3A_155 : i32
        %mul3A_157 = arith.constant 16 : i32
        %mul3A_158 = arith.muli %scan3A_156, %mul3A_157 : i32
        %add3A_159 = arith.constant 0 : i32
        %add3A_160 = arith.addi %add3A_159, %mul3A_158 : i32
        %get3A_161 = arith.index_cast %add3A_160 : i32 to index
        %get3A_162 = tpu.vector_load %arg6[%get3A_161] {strides = array<i32>} : memref<16384xi32, #tpu.memory_space<vmem>>, vector<16xi32>,
        %gather3A_163 = tpu.vector_load_idx %arg5[%get3A_162] : memref<100000xf32, #tpu.memory_space<vmem>>[vector<16xi32>], vector<16xf32>,
        %mul3A_164 = arith.constant 16 : i32
        %mul3A_165 = arith.muli %scan3A_156, %mul3A_164 : i32
        %swap3A_166 = arith.index_cast %mul3A_165 : i32 to index
        %swap3A_167 = tpu.vector_load %arg7[%swap3A_166] {strides = array<i32>} : memref<4096xf32, #tpu.memory_space<vmem>>, vector<16xf32>,
        tpu.vector_store %arg7[%swap3A_166], %gather3A_163 {strides = array<i32>} : memref<4096xf32, #tpu.memory_space<vmem>>, vector<16xf32>,
        %scan3A_168 = arith.constant 4 : i32
        %scan3A_169 = arith.addi %scan3A_120, %scan3A_168 : i32
        %mul3A_170 = arith.constant 16 : i32
        %mul3A_171 = arith.muli %scan3A_169, %mul3A_170 : i32
        %add3A_172 = arith.constant 0 : i32
        %add3A_173 = arith.addi %add3A_172, %mul3A_171 : i32
        %get3A_174 = arith.index_cast %add3A_173 : i32 to index
        %get3A_175 = tpu.vector_load %arg6[%get3A_174] {strides = array<i32>} : memref<16384xi32, #tpu.memory_space<vmem>>, vector<16xi32>,
        %gather3A_176 = tpu.vector_load_idx %arg5[%get3A_175] : memref<100000xf32, #tpu.memory_space<vmem>>[vector<16xi32>], vector<16xf32>,
        %mul3A_177 = arith.constant 16 : i32
        %mul3A_178 = arith.muli %scan3A_169, %mul3A_177 : i32
        %swap3A_179 = arith.index_cast %mul3A_178 : i32 to index
        %swap3A_180 = tpu.vector_load %arg7[%swap3A_179] {strides = array<i32>} : memref<4096xf32, #tpu.memory_space<vmem>>, vector<16xf32>,
        tpu.vector_store %arg7[%swap3A_179], %gather3A_176 {strides = array<i32>} : memref<4096xf32, #tpu.memory_space<vmem>>, vector<16xf32>,
        %scan3A_181 = arith.constant 5 : i32
        %scan3A_182 = arith.addi %scan3A_120, %scan3A_181 : i32
        %mul3A_183 = arith.constant 16 : i32
        %mul3A_184 = arith.muli %scan3A_182, %mul3A_183 : i32
        %add3A_185 = arith.constant 0 : i32
        %add3A_186 = arith.addi %add3A_185, %mul3A_184 : i32
        %get3A_187 = arith.index_cast %add3A_186 : i32 to index
        %get3A_188 = tpu.vector_load %arg6[%get3A_187] {strides = array<i32>} : memref<16384xi32, #tpu.memory_space<vmem>>, vector<16xi32>,
        %gather3A_189 = tpu.vector_load_idx %arg5[%get3A_188] : memref<100000xf32, #tpu.memory_space<vmem>>[vector<16xi32>], vector<16xf32>,
        %mul3A_190 = arith.constant 16 : i32
        %mul3A_191 = arith.muli %scan3A_182, %mul3A_190 : i32
        %swap3A_192 = arith.index_cast %mul3A_191 : i32 to index
        %swap3A_193 = tpu.vector_load %arg7[%swap3A_192] {strides = array<i32>} : memref<4096xf32, #tpu.memory_space<vmem>>, vector<16xf32>,
        tpu.vector_store %arg7[%swap3A_192], %gather3A_189 {strides = array<i32>} : memref<4096xf32, #tpu.memory_space<vmem>>, vector<16xf32>,
        %scan3A_194 = arith.constant 6 : i32
        %scan3A_195 = arith.addi %scan3A_120, %scan3A_194 : i32
        %mul3A_196 = arith.constant 16 : i32
        %mul3A_197 = arith.muli %scan3A_195, %mul3A_196 : i32
        %add3A_198 = arith.constant 0 : i32
        %add3A_199 = arith.addi %add3A_198, %mul3A_197 : i32
        %get3A_200 = arith.index_cast %add3A_199 : i32 to index
        %get3A_201 = tpu.vector_load %arg6[%get3A_200] {strides = array<i32>} : memref<16384xi32, #tpu.memory_space<vmem>>, vector<16xi32>,
        %gather3A_202 = tpu.vector_load_idx %arg5[%get3A_201] : memref<100000xf32, #tpu.memory_space<vmem>>[vector<16xi32>], vector<16xf32>,
        %mul3A_203 = arith.constant 16 : i32
        %mul3A_204 = arith.muli %scan3A_195, %mul3A_203 : i32
        %swap3A_205 = arith.index_cast %mul3A_204 : i32 to index
        %swap3A_206 = tpu.vector_load %arg7[%swap3A_205] {strides = array<i32>} : memref<4096xf32, #tpu.memory_space<vmem>>, vector<16xf32>,
        tpu.vector_store %arg7[%swap3A_205], %gather3A_202 {strides = array<i32>} : memref<4096xf32, #tpu.memory_space<vmem>>, vector<16xf32>,
        %scan3A_207 = arith.constant 7 : i32
        %scan3A_208 = arith.addi %scan3A_120, %scan3A_207 : i32
        %mul3A_209 = arith.constant 16 : i32
        %mul3A_210 = arith.muli %scan3A_208, %mul3A_209 : i32
        %add3A_211 = arith.constant 0 : i32
        %add3A_212 = arith.addi %add3A_211, %mul3A_210 : i32
        %get3A_213 = arith.index_cast %add3A_212 : i32 to index
        %get3A_214 = tpu.vector_load %arg6[%get3A_213] {strides = array<i32>} : memref<16384xi32, #tpu.memory_space<vmem>>, vector<16xi32>,
        %gather3A_215 = tpu.vector_load_idx %arg5[%get3A_214] : memref<100000xf32, #tpu.memory_space<vmem>>[vector<16xi32>], vector<16xf32>,
        %mul3A_216 = arith.constant 16 : i32
        %mul3A_217 = arith.muli %scan3A_208, %mul3A_216 : i32
        %swap3A_218 = arith.index_cast %mul3A_217 : i32 to index
        %swap3A_219 = tpu.vector_load %arg7[%swap3A_218] {strides = array<i32>} : memref<4096xf32, #tpu.memory_space<vmem>>, vector<16xf32>,
        tpu.vector_store %arg7[%swap3A_218], %gather3A_215 {strides = array<i32>} : memref<4096xf32, #tpu.memory_space<vmem>>, vector<16xf32>,
        %scan3A_220 = arith.constant 8 : i32
        %scan3A_221 = arith.addi %scan3A_120, %scan3A_220 : i32
        %mul3A_222 = arith.constant 16 : i32
        %mul3A_223 = arith.muli %scan3A_221, %mul3A_222 : i32
        %add3A_224 = arith.constant 0 : i32
        %add3A_225 = arith.addi %add3A_224, %mul3A_223 : i32
        %get3A_226 = arith.index_cast %add3A_225 : i32 to index
        %get3A_227 = tpu.vector_load %arg6[%get3A_226] {strides = array<i32>} : memref<16384xi32, #tpu.memory_space<vmem>>, vector<16xi32>,
        %gather3A_228 = tpu.vector_load_idx %arg5[%get3A_227] : memref<100000xf32, #tpu.memory_space<vmem>>[vector<16xi32>], vector<16xf32>,
        %mul3A_229 = arith.constant 16 : i32
        %mul3A_230 = arith.muli %scan3A_221, %mul3A_229 : i32
        %swap3A_231 = arith.index_cast %mul3A_230 : i32 to index
        %swap3A_232 = tpu.vector_load %arg7[%swap3A_231] {strides = array<i32>} : memref<4096xf32, #tpu.memory_space<vmem>>, vector<16xf32>,
        tpu.vector_store %arg7[%swap3A_231], %gather3A_228 {strides = array<i32>} : memref<4096xf32, #tpu.memory_space<vmem>>, vector<16xf32>,
        %scan3A_233 = arith.constant 9 : i32
        %scan3A_234 = arith.addi %scan3A_120, %scan3A_233 : i32
        %mul3A_235 = arith.constant 16 : i32
        %mul3A_236 = arith.muli %scan3A_234, %mul3A_235 : i32
        %add3A_237 = arith.constant 0 : i32
        %add3A_238 = arith.addi %add3A_237, %mul3A_236 : i32
        %get3A_239 = arith.index_cast %add3A_238 : i32 to index
        %get3A_240 = tpu.vector_load %arg6[%get3A_239] {strides = array<i32>} : memref<16384xi32, #tpu.memory_space<vmem>>, vector<16xi32>,
        %gather3A_241 = tpu.vector_load_idx %arg5[%get3A_240] : memref<100000xf32, #tpu.memory_space<vmem>>[vector<16xi32>], vector<16xf32>,
        %mul3A_242 = arith.constant 16 : i32
        %mul3A_243 = arith.muli %scan3A_234, %mul3A_242 : i32
        %swap3A_244 = arith.index_cast %mul3A_243 : i32 to index
        %swap3A_245 = tpu.vector_load %arg7[%swap3A_244] {strides = array<i32>} : memref<4096xf32, #tpu.memory_space<vmem>>, vector<16xf32>,
        tpu.vector_store %arg7[%swap3A_244], %gather3A_241 {strides = array<i32>} : memref<4096xf32, #tpu.memory_space<vmem>>, vector<16xf32>,
        %scan3A_246 = arith.constant 10 : i32
        %scan3A_247 = arith.addi %scan3A_120, %scan3A_246 : i32
        %mul3A_248 = arith.constant 16 : i32
        %mul3A_249 = arith.muli %scan3A_247, %mul3A_248 : i32
        %add3A_250 = arith.constant 0 : i32
        %add3A_251 = arith.addi %add3A_250, %mul3A_249 : i32
        %get3A_252 = arith.index_cast %add3A_251 : i32 to index
        %get3A_253 = tpu.vector_load %arg6[%get3A_252] {strides = array<i32>} : memref<16384xi32, #tpu.memory_space<vmem>>, vector<16xi32>,
        %gather3A_254 = tpu.vector_load_idx %arg5[%get3A_253] : memref<100000xf32, #tpu.memory_space<vmem>>[vector<16xi32>], vector<16xf32>,
        %mul3A_255 = arith.constant 16 : i32
        %mul3A_256 = arith.muli %scan3A_247, %mul3A_255 : i32
        %swap3A_257 = arith.index_cast %mul3A_256 : i32 to index
        %swap3A_258 = tpu.vector_load %arg7[%swap3A_257] {strides = array<i32>} : memref<4096xf32, #tpu.memory_space<vmem>>, vector<16xf32>,
        tpu.vector_store %arg7[%swap3A_257], %gather3A_254 {strides = array<i32>} : memref<4096xf32, #tpu.memory_space<vmem>>, vector<16xf32>,
        %scan3A_259 = arith.constant 11 : i32
        %scan3A_260 = arith.addi %scan3A_120, %scan3A_259 : i32
        %mul3A_261 = arith.constant 16 : i32
        %mul3A_262 = arith.muli %scan3A_260, %mul3A_261 : i32
        %add3A_263 = arith.constant 0 : i32
        %add3A_264 = arith.addi %add3A_263, %mul3A_262 : i32
        %get3A_265 = arith.index_cast %add3A_264 : i32 to index
        %get3A_266 = tpu.vector_load %arg6[%get3A_265] {strides = array<i32>} : memref<16384xi32, #tpu.memory_space<vmem>>, vector<16xi32>,
        %gather3A_267 = tpu.vector_load_idx %arg5[%get3A_266] : memref<100000xf32, #tpu.memory_space<vmem>>[vector<16xi32>], vector<16xf32>,
        %mul3A_268 = arith.constant 16 : i32
        %mul3A_269 = arith.muli %scan3A_260, %mul3A_268 : i32
        %swap3A_270 = arith.index_cast %mul3A_269 : i32 to index
        %swap3A_271 = tpu.vector_load %arg7[%swap3A_270] {strides = array<i32>} : memref<4096xf32, #tpu.memory_space<vmem>>, vector<16xf32>,
        tpu.vector_store %arg7[%swap3A_270], %gather3A_267 {strides = array<i32>} : memref<4096xf32, #tpu.memory_space<vmem>>, vector<16xf32>,
        %scan3A_272 = arith.constant 12 : i32
        %scan3A_273 = arith.addi %scan3A_120, %scan3A_272 : i32
        %mul3A_274 = arith.constant 16 : i32
        %mul3A_275 = arith.muli %scan3A_273, %mul3A_274 : i32
        %add3A_276 = arith.constant 0 : i32
        %add3A_277 = arith.addi %add3A_276, %mul3A_275 : i32
        %get3A_278 = arith.index_cast %add3A_277 : i32 to index
        %get3A_279 = tpu.vector_load %arg6[%get3A_278] {strides = array<i32>} : memref<16384xi32, #tpu.memory_space<vmem>>, vector<16xi32>,
        %gather3A_280 = tpu.vector_load_idx %arg5[%get3A_279] : memref<100000xf32, #tpu.memory_space<vmem>>[vector<16xi32>], vector<16xf32>,
        %mul3A_281 = arith.constant 16 : i32
        %mul3A_282 = arith.muli %scan3A_273, %mul3A_281 : i32
        %swap3A_283 = arith.index_cast %mul3A_282 : i32 to index
        %swap3A_284 = tpu.vector_load %arg7[%swap3A_283] {strides = array<i32>} : memref<4096xf32, #tpu.memory_space<vmem>>, vector<16xf32>,
        tpu.vector_store %arg7[%swap3A_283], %gather3A_280 {strides = array<i32>} : memref<4096xf32, #tpu.memory_space<vmem>>, vector<16xf32>,
        %scan3A_285 = arith.constant 13 : i32
        %scan3A_286 = arith.addi %scan3A_120, %scan3A_285 : i32
        %mul3A_287 = arith.constant 16 : i32
        %mul3A_288 = arith.muli %scan3A_286, %mul3A_287 : i32
        %add3A_289 = arith.constant 0 : i32
        %add3A_290 = arith.addi %add3A_289, %mul3A_288 : i32
        %get3A_291 = arith.index_cast %add3A_290 : i32 to index
        %get3A_292 = tpu.vector_load %arg6[%get3A_291] {strides = array<i32>} : memref<16384xi32, #tpu.memory_space<vmem>>, vector<16xi32>,
        %gather3A_293 = tpu.vector_load_idx %arg5[%get3A_292] : memref<100000xf32, #tpu.memory_space<vmem>>[vector<16xi32>], vector<16xf32>,
        %mul3A_294 = arith.constant 16 : i32
        %mul3A_295 = arith.muli %scan3A_286, %mul3A_294 : i32
        %swap3A_296 = arith.index_cast %mul3A_295 : i32 to index
        %swap3A_297 = tpu.vector_load %arg7[%swap3A_296] {strides = array<i32>} : memref<4096xf32, #tpu.memory_space<vmem>>, vector<16xf32>,
        tpu.vector_store %arg7[%swap3A_296], %gather3A_293 {strides = array<i32>} : memref<4096xf32, #tpu.memory_space<vmem>>, vector<16xf32>,
        %scan3A_298 = arith.constant 14 : i32
        %scan3A_299 = arith.addi %scan3A_120, %scan3A_298 : i32
        %mul3A_300 = arith.constant 16 : i32
        %mul3A_301 = arith.muli %scan3A_299, %mul3A_300 : i32
        %add3A_302 = arith.constant 0 : i32
        %add3A_303 = arith.addi %add3A_302, %mul3A_301 : i32
        %get3A_304 = arith.index_cast %add3A_303 : i32 to index
        %get3A_305 = tpu.vector_load %arg6[%get3A_304] {strides = array<i32>} : memref<16384xi32, #tpu.memory_space<vmem>>, vector<16xi32>,
        %gather3A_306 = tpu.vector_load_idx %arg5[%get3A_305] : memref<100000xf32, #tpu.memory_space<vmem>>[vector<16xi32>], vector<16xf32>,
        %mul3A_307 = arith.constant 16 : i32
        %mul3A_308 = arith.muli %scan3A_299, %mul3A_307 : i32
        %swap3A_309 = arith.index_cast %mul3A_308 : i32 to index
        %swap3A_310 = tpu.vector_load %arg7[%swap3A_309] {strides = array<i32>} : memref<4096xf32, #tpu.memory_space<vmem>>, vector<16xf32>,
        tpu.vector_store %arg7[%swap3A_309], %gather3A_306 {strides = array<i32>} : memref<4096xf32, #tpu.memory_space<vmem>>, vector<16xf32>,
        %scan3A_311 = arith.constant 15 : i32
        %scan3A_312 = arith.addi %scan3A_120, %scan3A_311 : i32
        %mul3A_313 = arith.constant 16 : i32
        %mul3A_314 = arith.muli %scan3A_312, %mul3A_313 : i32
        %add3A_315 = arith.constant 0 : i32
        %add3A_316 = arith.addi %add3A_315, %mul3A_314 : i32
        %get3A_317 = arith.index_cast %add3A_316 : i32 to index
        %get3A_318 = tpu.vector_load %arg6[%get3A_317] {strides = array<i32>} : memref<16384xi32, #tpu.memory_space<vmem>>, vector<16xi32>,
        %gather3A_319 = tpu.vector_load_idx %arg5[%get3A_318] : memref<100000xf32, #tpu.memory_space<vmem>>[vector<16xi32>], vector<16xf32>,
        %mul3A_320 = arith.constant 16 : i32
        %mul3A_321 = arith.muli %scan3A_312, %mul3A_320 : i32
        %swap3A_322 = arith.index_cast %mul3A_321 : i32 to index
        %swap3A_323 = tpu.vector_load %arg7[%swap3A_322] {strides = array<i32>} : memref<4096xf32, #tpu.memory_space<vmem>>, vector<16xf32>,
        tpu.vector_store %arg7[%swap3A_322], %gather3A_319 {strides = array<i32>} : memref<4096xf32, #tpu.memory_space<vmem>>, vector<16xf32>,
        %scan3A_324 = arith.constant 16 : i32
        %scan3A_325 = arith.addi %scan3A_120, %scan3A_324 : i32
        %mul3A_326 = arith.constant 16 : i32
        %mul3A_327 = arith.muli %scan3A_325, %mul3A_326 : i32
        %add3A_328 = arith.constant 0 : i32
        %add3A_329 = arith.addi %add3A_328, %mul3A_327 : i32
        %get3A_330 = arith.index_cast %add3A_329 : i32 to index
        %get3A_331 = tpu.vector_load %arg6[%get3A_330] {strides = array<i32>} : memref<16384xi32, #tpu.memory_space<vmem>>, vector<16xi32>,
        %gather3A_332 = tpu.vector_load_idx %arg5[%get3A_331] : memref<100000xf32, #tpu.memory_space<vmem>>[vector<16xi32>], vector<16xf32>,
        %mul3A_333 = arith.constant 16 : i32
        %mul3A_334 = arith.muli %scan3A_325, %mul3A_333 : i32
        %swap3A_335 = arith.index_cast %mul3A_334 : i32 to index
        %swap3A_336 = tpu.vector_load %arg7[%swap3A_335] {strides = array<i32>} : memref<4096xf32, #tpu.memory_space<vmem>>, vector<16xf32>,
        tpu.vector_store %arg7[%swap3A_335], %gather3A_332 {strides = array<i32>} : memref<4096xf32, #tpu.memory_space<vmem>>, vector<16xf32>,
        %scan3A_337 = arith.constant 17 : i32
        %scan3A_338 = arith.addi %scan3A_120, %scan3A_337 : i32
        %mul3A_339 = arith.constant 16 : i32
        %mul3A_340 = arith.muli %scan3A_338, %mul3A_339 : i32
        %add3A_341 = arith.constant 0 : i32
        %add3A_342 = arith.addi %add3A_341, %mul3A_340 : i32
        %get3A_343 = arith.index_cast %add3A_342 : i32 to index
        %get3A_344 = tpu.vector_load %arg6[%get3A_343] {strides = array<i32>} : memref<16384xi32, #tpu.memory_space<vmem>>, vector<16xi32>,
        %gather3A_345 = tpu.vector_load_idx %arg5[%get3A_344] : memref<100000xf32, #tpu.memory_space<vmem>>[vector<16xi32>], vector<16xf32>,
        %mul3A_346 = arith.constant 16 : i32
        %mul3A_347 = arith.muli %scan3A_338, %mul3A_346 : i32
        %swap3A_348 = arith.index_cast %mul3A_347 : i32 to index
        %swap3A_349 = tpu.vector_load %arg7[%swap3A_348] {strides = array<i32>} : memref<4096xf32, #tpu.memory_space<vmem>>, vector<16xf32>,
        tpu.vector_store %arg7[%swap3A_348], %gather3A_345 {strides = array<i32>} : memref<4096xf32, #tpu.memory_space<vmem>>, vector<16xf32>,
        %scan3A_350 = arith.constant 18 : i32
        %scan3A_351 = arith.addi %scan3A_120, %scan3A_350 : i32
        %mul3A_352 = arith.constant 16 : i32
        %mul3A_353 = arith.muli %scan3A_351, %mul3A_352 : i32
        %add3A_354 = arith.constant 0 : i32
        %add3A_355 = arith.addi %add3A_354, %mul3A_353 : i32
        %get3A_356 = arith.index_cast %add3A_355 : i32 to index
        %get3A_357 = tpu.vector_load %arg6[%get3A_356] {strides = array<i32>} : memref<16384xi32, #tpu.memory_space<vmem>>, vector<16xi32>,
        %gather3A_358 = tpu.vector_load_idx %arg5[%get3A_357] : memref<100000xf32, #tpu.memory_space<vmem>>[vector<16xi32>], vector<16xf32>,
        %mul3A_359 = arith.constant 16 : i32
        %mul3A_360 = arith.muli %scan3A_351, %mul3A_359 : i32
        %swap3A_361 = arith.index_cast %mul3A_360 : i32 to index
        %swap3A_362 = tpu.vector_load %arg7[%swap3A_361] {strides = array<i32>} : memref<4096xf32, #tpu.memory_space<vmem>>, vector<16xf32>,
        tpu.vector_store %arg7[%swap3A_361], %gather3A_358 {strides = array<i32>} : memref<4096xf32, #tpu.memory_space<vmem>>, vector<16xf32>,
        %scan3A_363 = arith.constant 19 : i32
        %scan3A_364 = arith.addi %scan3A_120, %scan3A_363 : i32
        %mul3A_365 = arith.constant 16 : i32
        %mul3A_366 = arith.muli %scan3A_364, %mul3A_365 : i32
        %add3A_367 = arith.constant 0 : i32
        %add3A_368 = arith.addi %add3A_367, %mul3A_366 : i32
        %get3A_369 = arith.index_cast %add3A_368 : i32 to index
        %get3A_370 = tpu.vector_load %arg6[%get3A_369] {strides = array<i32>} : memref<16384xi32, #tpu.memory_space<vmem>>, vector<16xi32>,
        %gather3A_371 = tpu.vector_load_idx %arg5[%get3A_370] : memref<100000xf32, #tpu.memory_space<vmem>>[vector<16xi32>], vector<16xf32>,
        %mul3A_372 = arith.constant 16 : i32
        %mul3A_373 = arith.muli %scan3A_364, %mul3A_372 : i32
        %swap3A_374 = arith.index_cast %mul3A_373 : i32 to index
        %swap3A_375 = tpu.vector_load %arg7[%swap3A_374] {strides = array<i32>} : memref<4096xf32, #tpu.memory_space<vmem>>, vector<16xf32>,
        tpu.vector_store %arg7[%swap3A_374], %gather3A_371 {strides = array<i32>} : memref<4096xf32, #tpu.memory_space<vmem>>, vector<16xf32>,
        %scan3A_376 = arith.constant 20 : i32
        %scan3A_377 = arith.addi %scan3A_120, %scan3A_376 : i32
        %mul3A_378 = arith.constant 16 : i32
        %mul3A_379 = arith.muli %scan3A_377, %mul3A_378 : i32
        %add3A_380 = arith.constant 0 : i32
        %add3A_381 = arith.addi %add3A_380, %mul3A_379 : i32
        %get3A_382 = arith.index_cast %add3A_381 : i32 to index
        %get3A_383 = tpu.vector_load %arg6[%get3A_382] {strides = array<i32>} : memref<16384xi32, #tpu.memory_space<vmem>>, vector<16xi32>,
        %gather3A_384 = tpu.vector_load_idx %arg5[%get3A_383] : memref<100000xf32, #tpu.memory_space<vmem>>[vector<16xi32>], vector<16xf32>,
        %mul3A_385 = arith.constant 16 : i32
        %mul3A_386 = arith.muli %scan3A_377, %mul3A_385 : i32
        %swap3A_387 = arith.index_cast %mul3A_386 : i32 to index
        %swap3A_388 = tpu.vector_load %arg7[%swap3A_387] {strides = array<i32>} : memref<4096xf32, #tpu.memory_space<vmem>>, vector<16xf32>,
        tpu.vector_store %arg7[%swap3A_387], %gather3A_384 {strides = array<i32>} : memref<4096xf32, #tpu.memory_space<vmem>>, vector<16xf32>,
        %scan3A_389 = arith.constant 21 : i32
        %scan3A_390 = arith.addi %scan3A_120, %scan3A_389 : i32
        %mul3A_391 = arith.constant 16 : i32
        %mul3A_392 = arith.muli %scan3A_390, %mul3A_391 : i32
        %add3A_393 = arith.constant 0 : i32
        %add3A_394 = arith.addi %add3A_393, %mul3A_392 : i32
        %get3A_395 = arith.index_cast %add3A_394 : i32 to index
        %get3A_396 = tpu.vector_load %arg6[%get3A_395] {strides = array<i32>} : memref<16384xi32, #tpu.memory_space<vmem>>, vector<16xi32>,
        %gather3A_397 = tpu.vector_load_idx %arg5[%get3A_396] : memref<100000xf32, #tpu.memory_space<vmem>>[vector<16xi32>], vector<16xf32>,
        %mul3A_398 = arith.constant 16 : i32
        %mul3A_399 = arith.muli %scan3A_390, %mul3A_398 : i32
        %swap3A_400 = arith.index_cast %mul3A_399 : i32 to index
        %swap3A_401 = tpu.vector_load %arg7[%swap3A_400] {strides = array<i32>} : memref<4096xf32, #tpu.memory_space<vmem>>, vector<16xf32>,
        tpu.vector_store %arg7[%swap3A_400], %gather3A_397 {strides = array<i32>} : memref<4096xf32, #tpu.memory_space<vmem>>, vector<16xf32>,
        %scan3A_402 = arith.constant 22 : i32
        %scan3A_403 = arith.addi %scan3A_120, %scan3A_402 : i32
        %mul3A_404 = arith.constant 16 : i32
        %mul3A_405 = arith.muli %scan3A_403, %mul3A_404 : i32
        %add3A_406 = arith.constant 0 : i32
        %add3A_407 = arith.addi %add3A_406, %mul3A_405 : i32
        %get3A_408 = arith.index_cast %add3A_407 : i32 to index
        %get3A_409 = tpu.vector_load %arg6[%get3A_408] {strides = array<i32>} : memref<16384xi32, #tpu.memory_space<vmem>>, vector<16xi32>,
        %gather3A_410 = tpu.vector_load_idx %arg5[%get3A_409] : memref<100000xf32, #tpu.memory_space<vmem>>[vector<16xi32>], vector<16xf32>,
        %mul3A_411 = arith.constant 16 : i32
        %mul3A_412 = arith.muli %scan3A_403, %mul3A_411 : i32
        %swap3A_413 = arith.index_cast %mul3A_412 : i32 to index
        %swap3A_414 = tpu.vector_load %arg7[%swap3A_413] {strides = array<i32>} : memref<4096xf32, #tpu.memory_space<vmem>>, vector<16xf32>,
        tpu.vector_store %arg7[%swap3A_413], %gather3A_410 {strides = array<i32>} : memref<4096xf32, #tpu.memory_space<vmem>>, vector<16xf32>,
        %scan3A_415 = arith.constant 23 : i32
        %scan3A_416 = arith.addi %scan3A_120, %scan3A_415 : i32
        %mul3A_417 = arith.constant 16 : i32
        %mul3A_418 = arith.muli %scan3A_416, %mul3A_417 : i32
        %add3A_419 = arith.constant 0 : i32
        %add3A_420 = arith.addi %add3A_419, %mul3A_418 : i32
        %get3A_421 = arith.index_cast %add3A_420 : i32 to index
        %get3A_422 = tpu.vector_load %arg6[%get3A_421] {strides = array<i32>} : memref<16384xi32, #tpu.memory_space<vmem>>, vector<16xi32>,
        %gather3A_423 = tpu.vector_load_idx %arg5[%get3A_422] : memref<100000xf32, #tpu.memory_space<vmem>>[vector<16xi32>], vector<16xf32>,
        %mul3A_424 = arith.constant 16 : i32
        %mul3A_425 = arith.muli %scan3A_416, %mul3A_424 : i32
        %swap3A_426 = arith.index_cast %mul3A_425 : i32 to index
        %swap3A_427 = tpu.vector_load %arg7[%swap3A_426] {strides = array<i32>} : memref<4096xf32, #tpu.memory_space<vmem>>, vector<16xf32>,
        tpu.vector_store %arg7[%swap3A_426], %gather3A_423 {strides = array<i32>} : memref<4096xf32, #tpu.memory_space<vmem>>, vector<16xf32>,
        %scan3A_428 = arith.constant 24 : i32
        %scan3A_429 = arith.addi %scan3A_120, %scan3A_428 : i32
        %mul3A_430 = arith.constant 16 : i32
        %mul3A_431 = arith.muli %scan3A_429, %mul3A_430 : i32
        %add3A_432 = arith.constant 0 : i32
        %add3A_433 = arith.addi %add3A_432, %mul3A_431 : i32
        %get3A_434 = arith.index_cast %add3A_433 : i32 to index
        %get3A_435 = tpu.vector_load %arg6[%get3A_434] {strides = array<i32>} : memref<16384xi32, #tpu.memory_space<vmem>>, vector<16xi32>,
        %gather3A_436 = tpu.vector_load_idx %arg5[%get3A_435] : memref<100000xf32, #tpu.memory_space<vmem>>[vector<16xi32>], vector<16xf32>,
        %mul3A_437 = arith.constant 16 : i32
        %mul3A_438 = arith.muli %scan3A_429, %mul3A_437 : i32
        %swap3A_439 = arith.index_cast %mul3A_438 : i32 to index
        %swap3A_440 = tpu.vector_load %arg7[%swap3A_439] {strides = array<i32>} : memref<4096xf32, #tpu.memory_space<vmem>>, vector<16xf32>,
        tpu.vector_store %arg7[%swap3A_439], %gather3A_436 {strides = array<i32>} : memref<4096xf32, #tpu.memory_space<vmem>>, vector<16xf32>,
        %scan3A_441 = arith.constant 25 : i32
        %scan3A_442 = arith.addi %scan3A_120, %scan3A_441 : i32
        %mul3A_443 = arith.constant 16 : i32
        %mul3A_444 = arith.muli %scan3A_442, %mul3A_443 : i32
        %add3A_445 = arith.constant 0 : i32
        %add3A_446 = arith.addi %add3A_445, %mul3A_444 : i32
        %get3A_447 = arith.index_cast %add3A_446 : i32 to index
        %get3A_448 = tpu.vector_load %arg6[%get3A_447] {strides = array<i32>} : memref<16384xi32, #tpu.memory_space<vmem>>, vector<16xi32>,
        %gather3A_449 = tpu.vector_load_idx %arg5[%get3A_448] : memref<100000xf32, #tpu.memory_space<vmem>>[vector<16xi32>], vector<16xf32>,
        %mul3A_450 = arith.constant 16 : i32
        %mul3A_451 = arith.muli %scan3A_442, %mul3A_450 : i32
        %swap3A_452 = arith.index_cast %mul3A_451 : i32 to index
        %swap3A_453 = tpu.vector_load %arg7[%swap3A_452] {strides = array<i32>} : memref<4096xf32, #tpu.memory_space<vmem>>, vector<16xf32>,
        tpu.vector_store %arg7[%swap3A_452], %gather3A_449 {strides = array<i32>} : memref<4096xf32, #tpu.memory_space<vmem>>, vector<16xf32>,
        %scan3A_454 = arith.constant 26 : i32
        %scan3A_455 = arith.addi %scan3A_120, %scan3A_454 : i32
        %mul3A_456 = arith.constant 16 : i32
        %mul3A_457 = arith.muli %scan3A_455, %mul3A_456 : i32
        %add3A_458 = arith.constant 0 : i32
        %add3A_459 = arith.addi %add3A_458, %mul3A_457 : i32
        %get3A_460 = arith.index_cast %add3A_459 : i32 to index
        %get3A_461 = tpu.vector_load %arg6[%get3A_460] {strides = array<i32>} : memref<16384xi32, #tpu.memory_space<vmem>>, vector<16xi32>,
        %gather3A_462 = tpu.vector_load_idx %arg5[%get3A_461] : memref<100000xf32, #tpu.memory_space<vmem>>[vector<16xi32>], vector<16xf32>,
        %mul3A_463 = arith.constant 16 : i32
        %mul3A_464 = arith.muli %scan3A_455, %mul3A_463 : i32
        %swap3A_465 = arith.index_cast %mul3A_464 : i32 to index
        %swap3A_466 = tpu.vector_load %arg7[%swap3A_465] {strides = array<i32>} : memref<4096xf32, #tpu.memory_space<vmem>>, vector<16xf32>,
        tpu.vector_store %arg7[%swap3A_465], %gather3A_462 {strides = array<i32>} : memref<4096xf32, #tpu.memory_space<vmem>>, vector<16xf32>,
        %scan3A_467 = arith.constant 27 : i32
        %scan3A_468 = arith.addi %scan3A_120, %scan3A_467 : i32
        %mul3A_469 = arith.constant 16 : i32
        %mul3A_470 = arith.muli %scan3A_468, %mul3A_469 : i32
        %add3A_471 = arith.constant 0 : i32
        %add3A_472 = arith.addi %add3A_471, %mul3A_470 : i32
        %get3A_473 = arith.index_cast %add3A_472 : i32 to index
        %get3A_474 = tpu.vector_load %arg6[%get3A_473] {strides = array<i32>} : memref<16384xi32, #tpu.memory_space<vmem>>, vector<16xi32>,
        %gather3A_475 = tpu.vector_load_idx %arg5[%get3A_474] : memref<100000xf32, #tpu.memory_space<vmem>>[vector<16xi32>], vector<16xf32>,
        %mul3A_476 = arith.constant 16 : i32
        %mul3A_477 = arith.muli %scan3A_468, %mul3A_476 : i32
        %swap3A_478 = arith.index_cast %mul3A_477 : i32 to index
        %swap3A_479 = tpu.vector_load %arg7[%swap3A_478] {strides = array<i32>} : memref<4096xf32, #tpu.memory_space<vmem>>, vector<16xf32>,
        tpu.vector_store %arg7[%swap3A_478], %gather3A_475 {strides = array<i32>} : memref<4096xf32, #tpu.memory_space<vmem>>, vector<16xf32>,
        %scan3A_480 = arith.constant 28 : i32
        %scan3A_481 = arith.addi %scan3A_120, %scan3A_480 : i32
        %mul3A_482 = arith.constant 16 : i32
        %mul3A_483 = arith.muli %scan3A_481, %mul3A_482 : i32
        %add3A_484 = arith.constant 0 : i32
        %add3A_485 = arith.addi %add3A_484, %mul3A_483 : i32
        %get3A_486 = arith.index_cast %add3A_485 : i32 to index
        %get3A_487 = tpu.vector_load %arg6[%get3A_486] {strides = array<i32>} : memref<16384xi32, #tpu.memory_space<vmem>>, vector<16xi32>,
        %gather3A_488 = tpu.vector_load_idx %arg5[%get3A_487] : memref<100000xf32, #tpu.memory_space<vmem>>[vector<16xi32>], vector<16xf32>,
        %mul3A_489 = arith.constant 16 : i32
        %mul3A_490 = arith.muli %scan3A_481, %mul3A_489 : i32
        %swap3A_491 = arith.index_cast %mul3A_490 : i32 to index
        %swap3A_492 = tpu.vector_load %arg7[%swap3A_491] {strides = array<i32>} : memref<4096xf32, #tpu.memory_space<vmem>>, vector<16xf32>,
        tpu.vector_store %arg7[%swap3A_491], %gather3A_488 {strides = array<i32>} : memref<4096xf32, #tpu.memory_space<vmem>>, vector<16xf32>,
        %scan3A_493 = arith.constant 29 : i32
        %scan3A_494 = arith.addi %scan3A_120, %scan3A_493 : i32
        %mul3A_495 = arith.constant 16 : i32
        %mul3A_496 = arith.muli %scan3A_494, %mul3A_495 : i32
        %add3A_497 = arith.constant 0 : i32
        %add3A_498 = arith.addi %add3A_497, %mul3A_496 : i32
        %get3A_499 = arith.index_cast %add3A_498 : i32 to index
        %get3A_500 = tpu.vector_load %arg6[%get3A_499] {strides = array<i32>} : memref<16384xi32, #tpu.memory_space<vmem>>, vector<16xi32>,
        %gather3A_501 = tpu.vector_load_idx %arg5[%get3A_500] : memref<100000xf32, #tpu.memory_space<vmem>>[vector<16xi32>], vector<16xf32>,
        %mul3A_502 = arith.constant 16 : i32
        %mul3A_503 = arith.muli %scan3A_494, %mul3A_502 : i32
        %swap3A_504 = arith.index_cast %mul3A_503 : i32 to index
        %swap3A_505 = tpu.vector_load %arg7[%swap3A_504] {strides = array<i32>} : memref<4096xf32, #tpu.memory_space<vmem>>, vector<16xf32>,
        tpu.vector_store %arg7[%swap3A_504], %gather3A_501 {strides = array<i32>} : memref<4096xf32, #tpu.memory_space<vmem>>, vector<16xf32>,
        %scan3A_506 = arith.constant 30 : i32
        %scan3A_507 = arith.addi %scan3A_120, %scan3A_506 : i32
        %mul3A_508 = arith.constant 16 : i32
        %mul3A_509 = arith.muli %scan3A_507, %mul3A_508 : i32
        %add3A_510 = arith.constant 0 : i32
        %add3A_511 = arith.addi %add3A_510, %mul3A_509 : i32
        %get3A_512 = arith.index_cast %add3A_511 : i32 to index
        %get3A_513 = tpu.vector_load %arg6[%get3A_512] {strides = array<i32>} : memref<16384xi32, #tpu.memory_space<vmem>>, vector<16xi32>,
        %gather3A_514 = tpu.vector_load_idx %arg5[%get3A_513] : memref<100000xf32, #tpu.memory_space<vmem>>[vector<16xi32>], vector<16xf32>,
        %mul3A_515 = arith.constant 16 : i32
        %mul3A_516 = arith.muli %scan3A_507, %mul3A_515 : i32
        %swap3A_517 = arith.index_cast %mul3A_516 : i32 to index
        %swap3A_518 = tpu.vector_load %arg7[%swap3A_517] {strides = array<i32>} : memref<4096xf32, #tpu.memory_space<vmem>>, vector<16xf32>,
        tpu.vector_store %arg7[%swap3A_517], %gather3A_514 {strides = array<i32>} : memref<4096xf32, #tpu.memory_space<vmem>>, vector<16xf32>,
        %scan3A_519 = arith.constant 31 : i32
        %scan3A_520 = arith.addi %scan3A_120, %scan3A_519 : i32
        %mul3A_521 = arith.constant 16 : i32
        %mul3A_522 = arith.muli %scan3A_520, %mul3A_521 : i32
        %add3A_523 = arith.constant 0 : i32
        %add3A_524 = arith.addi %add3A_523, %mul3A_522 : i32
        %get3A_525 = arith.index_cast %add3A_524 : i32 to index
        %get3A_526 = tpu.vector_load %arg6[%get3A_525] {strides = array<i32>} : memref<16384xi32, #tpu.memory_space<vmem>>, vector<16xi32>,
        %gather3A_527 = tpu.vector_load_idx %arg5[%get3A_526] : memref<100000xf32, #tpu.memory_space<vmem>>[vector<16xi32>], vector<16xf32>,
        %mul3A_528 = arith.constant 16 : i32
        %mul3A_529 = arith.muli %scan3A_520, %mul3A_528 : i32
        %swap3A_530 = arith.index_cast %mul3A_529 : i32 to index
        %swap3A_531 = tpu.vector_load %arg7[%swap3A_530] {strides = array<i32>} : memref<4096xf32, #tpu.memory_space<vmem>>, vector<16xf32>,
        tpu.vector_store %arg7[%swap3A_530], %gather3A_527 {strides = array<i32>} : memref<4096xf32, #tpu.memory_space<vmem>>, vector<16xf32>,
      }
      %scan3A_58 = arith.constant 256 : i32
      %dma_start3A_59 = arith.constant 0 : i32
      %dma_start3A_60 = tpu.memref_slice %arg4[%add3A_22, %dma_start3A_59] : memref<832x16384xf32, #tpu.memory_space<hbm>> -> memref<1x4096xf32, #tpu.memory_space<hbm>>
      %dma_start3A_61 = tpu.memref_squeeze %dma_start3A_60 : memref<1x4096xf32, #tpu.memory_space<hbm>> -> memref<4096xf32, #tpu.memory_space<hbm>>
      %dma_start3A_62 = arith.constant 0 : i32
      %dma_start3A_63 = tpu.memref_slice %arg4[%add3A_22, %dma_start3A_62] : memref<832x16384xf32, #tpu.memory_space<hbm>> -> memref<1x4096xf32, #tpu.memory_space<hbm>>
      %dma_start3A_64 = tpu.memref_squeeze %dma_start3A_63 : memref<1x4096xf32, #tpu.memory_space<hbm>> -> memref<4096xf32, #tpu.memory_space<hbm>>
      tpu.enqueue_dma source(%arg7 : memref<4096xf32, #tpu.memory_space<vmem>>) target(%dma_start3A_64 : memref<4096xf32, #tpu.memory_space<hbm>>) target_semaphore(%arg10 : memref<!tpu.dma_semaphore, #tpu.memory_space<semaphore_mem>>)
      %gt3A_65 = arith.constant 0 : i32
      %gt3A_66 = arith.cmpi sgt, %scan3A_21, %gt3A_65 : i32
      %convert_element_type3A_67 = arith.extui %gt3A_66 : i1 to i32
      %cond3A_68 = arith.constant 0 : i32
      %cond3A_69 = arith.cmpi ne, %convert_element_type3A_67, %cond3A_68 : i32
      scf.if %cond3A_69 {
        %dma_wait3A_120 = arith.constant 0 : i32
        %dma_wait3A_121 = arith.constant 0 : i32
        %dma_wait3A_122 = tpu.memref_slice %arg4[%dma_wait3A_120, %dma_wait3A_121] : memref<832x16384xf32, #tpu.memory_space<hbm>> -> memref<1x4096xf32, #tpu.memory_space<hbm>>
        %dma_wait3A_123 = tpu.memref_squeeze %dma_wait3A_122 : memref<1x4096xf32, #tpu.memory_space<hbm>> -> memref<4096xf32, #tpu.memory_space<hbm>>
        %dma_wait3A_124 = arith.constant 0 : i32
        %dma_wait3A_125 = tpu.memref_slice %arg4[%dma_wait3A_120, %dma_wait3A_124] : memref<832x16384xf32, #tpu.memory_space<hbm>> -> memref<1x4096xf32, #tpu.memory_space<hbm>>
        %dma_wait3A_126 = tpu.memref_squeeze %dma_wait3A_125 : memref<1x4096xf32, #tpu.memory_space<hbm>> -> memref<4096xf32, #tpu.memory_space<hbm>>
        tpu.wait_dma2 semaphore(%arg11 : memref<!tpu.dma_semaphore, #tpu.memory_space<semaphore_mem>>) src(%arg8 : memref<4096xf32, #tpu.memory_space<vmem>>) dst(%dma_wait3A_126 : memref<4096xf32, #tpu.memory_space<hbm>>)
      } else {
      }
      %scan3A_70 = arith.constant 0 : i32
      %scan3A_71 = arith.constant 0 : i32
      %scan3A_72 = arith.constant 256 : i32
      %scan3A_73 = arith.addi %scan3A_71, %scan3A_72 : i32
      %scan3A_74 = arith.constant 32 : i32
      scf.for %scan3A_120 = %scan3A_71 to %scan3A_73 step %scan3A_74  : i32 {
        %mul3A_121 = arith.constant 16 : i32
        %mul3A_122 = arith.muli %scan3A_120, %mul3A_121 : i32
        %add3A_123 = arith.constant 4096 : i32
        %add3A_124 = arith.addi %add3A_123, %mul3A_122 : i32
        %get3A = arith.index_cast %add3A_124 : i32 to index
        %get3A_125 = tpu.vector_load %arg6[%get3A] {strides = array<i32>} : memref<16384xi32, #tpu.memory_space<vmem>>, vector<16xi32>,
        %gather3A = tpu.vector_load_idx %arg5[%get3A_125] : memref<100000xf32, #tpu.memory_space<vmem>>[vector<16xi32>], vector<16xf32>,
        %mul3A_126 = arith.constant 16 : i32
        %mul3A_127 = arith.muli %scan3A_120, %mul3A_126 : i32
        %swap3A = arith.index_cast %mul3A_127 : i32 to index
        %swap3A_128 = tpu.vector_load %arg8[%swap3A] {strides = array<i32>} : memref<4096xf32, #tpu.memory_space<vmem>>, vector<16xf32>,
        tpu.vector_store %arg8[%swap3A], %gather3A {strides = array<i32>} : memref<4096xf32, #tpu.memory_space<vmem>>, vector<16xf32>,
        %scan3A_129 = arith.constant 1 : i32
        %scan3A_130 = arith.addi %scan3A_120, %scan3A_129 : i32
        %mul3A_131 = arith.constant 16 : i32
        %mul3A_132 = arith.muli %scan3A_130, %mul3A_131 : i32
        %add3A_133 = arith.constant 4096 : i32
        %add3A_134 = arith.addi %add3A_133, %mul3A_132 : i32
        %get3A_135 = arith.index_cast %add3A_134 : i32 to index
        %get3A_136 = tpu.vector_load %arg6[%get3A_135] {strides = array<i32>} : memref<16384xi32, #tpu.memory_space<vmem>>, vector<16xi32>,
        %gather3A_137 = tpu.vector_load_idx %arg5[%get3A_136] : memref<100000xf32, #tpu.memory_space<vmem>>[vector<16xi32>], vector<16xf32>,
        %mul3A_138 = arith.constant 16 : i32
        %mul3A_139 = arith.muli %scan3A_130, %mul3A_138 : i32
        %swap3A_140 = arith.index_cast %mul3A_139 : i32 to index
        %swap3A_141 = tpu.vector_load %arg8[%swap3A_140] {strides = array<i32>} : memref<4096xf32, #tpu.memory_space<vmem>>, vector<16xf32>,
        tpu.vector_store %arg8[%swap3A_140], %gather3A_137 {strides = array<i32>} : memref<4096xf32, #tpu.memory_space<vmem>>, vector<16xf32>,
        %scan3A_142 = arith.constant 2 : i32
        %scan3A_143 = arith.addi %scan3A_120, %scan3A_142 : i32
        %mul3A_144 = arith.constant 16 : i32
        %mul3A_145 = arith.muli %scan3A_143, %mul3A_144 : i32
        %add3A_146 = arith.constant 4096 : i32
        %add3A_147 = arith.addi %add3A_146, %mul3A_145 : i32
        %get3A_148 = arith.index_cast %add3A_147 : i32 to index
        %get3A_149 = tpu.vector_load %arg6[%get3A_148] {strides = array<i32>} : memref<16384xi32, #tpu.memory_space<vmem>>, vector<16xi32>,
        %gather3A_150 = tpu.vector_load_idx %arg5[%get3A_149] : memref<100000xf32, #tpu.memory_space<vmem>>[vector<16xi32>], vector<16xf32>,
        %mul3A_151 = arith.constant 16 : i32
        %mul3A_152 = arith.muli %scan3A_143, %mul3A_151 : i32
        %swap3A_153 = arith.index_cast %mul3A_152 : i32 to index
        %swap3A_154 = tpu.vector_load %arg8[%swap3A_153] {strides = array<i32>} : memref<4096xf32, #tpu.memory_space<vmem>>, vector<16xf32>,
        tpu.vector_store %arg8[%swap3A_153], %gather3A_150 {strides = array<i32>} : memref<4096xf32, #tpu.memory_space<vmem>>, vector<16xf32>,
        %scan3A_155 = arith.constant 3 : i32
        %scan3A_156 = arith.addi %scan3A_120, %scan3A_155 : i32
        %mul3A_157 = arith.constant 16 : i32
        %mul3A_158 = arith.muli %scan3A_156, %mul3A_157 : i32
        %add3A_159 = arith.constant 4096 : i32
        %add3A_160 = arith.addi %add3A_159, %mul3A_158 : i32
        %get3A_161 = arith.index_cast %add3A_160 : i32 to index
        %get3A_162 = tpu.vector_load %arg6[%get3A_161] {strides = array<i32>} : memref<16384xi32, #tpu.memory_space<vmem>>, vector<16xi32>,
        %gather3A_163 = tpu.vector_load_idx %arg5[%get3A_162] : memref<100000xf32, #tpu.memory_space<vmem>>[vector<16xi32>], vector<16xf32>,
        %mul3A_164 = arith.constant 16 : i32
        %mul3A_165 = arith.muli %scan3A_156, %mul3A_164 : i32
        %swap3A_166 = arith.index_cast %mul3A_165 : i32 to index
        %swap3A_167 = tpu.vector_load %arg8[%swap3A_166] {strides = array<i32>} : memref<4096xf32, #tpu.memory_space<vmem>>, vector<16xf32>,
        tpu.vector_store %arg8[%swap3A_166], %gather3A_163 {strides = array<i32>} : memref<4096xf32, #tpu.memory_space<vmem>>, vector<16xf32>,
        %scan3A_168 = arith.constant 4 : i32
        %scan3A_169 = arith.addi %scan3A_120, %scan3A_168 : i32
        %mul3A_170 = arith.constant 16 : i32
        %mul3A_171 = arith.muli %scan3A_169, %mul3A_170 : i32
        %add3A_172 = arith.constant 4096 : i32
        %add3A_173 = arith.addi %add3A_172, %mul3A_171 : i32
        %get3A_174 = arith.index_cast %add3A_173 : i32 to index
        %get3A_175 = tpu.vector_load %arg6[%get3A_174] {strides = array<i32>} : memref<16384xi32, #tpu.memory_space<vmem>>, vector<16xi32>,
        %gather3A_176 = tpu.vector_load_idx %arg5[%get3A_175] : memref<100000xf32, #tpu.memory_space<vmem>>[vector<16xi32>], vector<16xf32>,
        %mul3A_177 = arith.constant 16 : i32
        %mul3A_178 = arith.muli %scan3A_169, %mul3A_177 : i32
        %swap3A_179 = arith.index_cast %mul3A_178 : i32 to index
        %swap3A_180 = tpu.vector_load %arg8[%swap3A_179] {strides = array<i32>} : memref<4096xf32, #tpu.memory_space<vmem>>, vector<16xf32>,
        tpu.vector_store %arg8[%swap3A_179], %gather3A_176 {strides = array<i32>} : memref<4096xf32, #tpu.memory_space<vmem>>, vector<16xf32>,
        %scan3A_181 = arith.constant 5 : i32
        %scan3A_182 = arith.addi %scan3A_120, %scan3A_181 : i32
        %mul3A_183 = arith.constant 16 : i32
        %mul3A_184 = arith.muli %scan3A_182, %mul3A_183 : i32
        %add3A_185 = arith.constant 4096 : i32
        %add3A_186 = arith.addi %add3A_185, %mul3A_184 : i32
        %get3A_187 = arith.index_cast %add3A_186 : i32 to index
        %get3A_188 = tpu.vector_load %arg6[%get3A_187] {strides = array<i32>} : memref<16384xi32, #tpu.memory_space<vmem>>, vector<16xi32>,
        %gather3A_189 = tpu.vector_load_idx %arg5[%get3A_188] : memref<100000xf32, #tpu.memory_space<vmem>>[vector<16xi32>], vector<16xf32>,
        %mul3A_190 = arith.constant 16 : i32
        %mul3A_191 = arith.muli %scan3A_182, %mul3A_190 : i32
        %swap3A_192 = arith.index_cast %mul3A_191 : i32 to index
        %swap3A_193 = tpu.vector_load %arg8[%swap3A_192] {strides = array<i32>} : memref<4096xf32, #tpu.memory_space<vmem>>, vector<16xf32>,
        tpu.vector_store %arg8[%swap3A_192], %gather3A_189 {strides = array<i32>} : memref<4096xf32, #tpu.memory_space<vmem>>, vector<16xf32>,
        %scan3A_194 = arith.constant 6 : i32
        %scan3A_195 = arith.addi %scan3A_120, %scan3A_194 : i32
        %mul3A_196 = arith.constant 16 : i32
        %mul3A_197 = arith.muli %scan3A_195, %mul3A_196 : i32
        %add3A_198 = arith.constant 4096 : i32
        %add3A_199 = arith.addi %add3A_198, %mul3A_197 : i32
        %get3A_200 = arith.index_cast %add3A_199 : i32 to index
        %get3A_201 = tpu.vector_load %arg6[%get3A_200] {strides = array<i32>} : memref<16384xi32, #tpu.memory_space<vmem>>, vector<16xi32>,
        %gather3A_202 = tpu.vector_load_idx %arg5[%get3A_201] : memref<100000xf32, #tpu.memory_space<vmem>>[vector<16xi32>], vector<16xf32>,
        %mul3A_203 = arith.constant 16 : i32
        %mul3A_204 = arith.muli %scan3A_195, %mul3A_203 : i32
        %swap3A_205 = arith.index_cast %mul3A_204 : i32 to index
        %swap3A_206 = tpu.vector_load %arg8[%swap3A_205] {strides = array<i32>} : memref<4096xf32, #tpu.memory_space<vmem>>, vector<16xf32>,
        tpu.vector_store %arg8[%swap3A_205], %gather3A_202 {strides = array<i32>} : memref<4096xf32, #tpu.memory_space<vmem>>, vector<16xf32>,
        %scan3A_207 = arith.constant 7 : i32
        %scan3A_208 = arith.addi %scan3A_120, %scan3A_207 : i32
        %mul3A_209 = arith.constant 16 : i32
        %mul3A_210 = arith.muli %scan3A_208, %mul3A_209 : i32
        %add3A_211 = arith.constant 4096 : i32
        %add3A_212 = arith.addi %add3A_211, %mul3A_210 : i32
        %get3A_213 = arith.index_cast %add3A_212 : i32 to index
        %get3A_214 = tpu.vector_load %arg6[%get3A_213] {strides = array<i32>} : memref<16384xi32, #tpu.memory_space<vmem>>, vector<16xi32>,
        %gather3A_215 = tpu.vector_load_idx %arg5[%get3A_214] : memref<100000xf32, #tpu.memory_space<vmem>>[vector<16xi32>], vector<16xf32>,
        %mul3A_216 = arith.constant 16 : i32
        %mul3A_217 = arith.muli %scan3A_208, %mul3A_216 : i32
        %swap3A_218 = arith.index_cast %mul3A_217 : i32 to index
        %swap3A_219 = tpu.vector_load %arg8[%swap3A_218] {strides = array<i32>} : memref<4096xf32, #tpu.memory_space<vmem>>, vector<16xf32>,
        tpu.vector_store %arg8[%swap3A_218], %gather3A_215 {strides = array<i32>} : memref<4096xf32, #tpu.memory_space<vmem>>, vector<16xf32>,
        %scan3A_220 = arith.constant 8 : i32
        %scan3A_221 = arith.addi %scan3A_120, %scan3A_220 : i32
        %mul3A_222 = arith.constant 16 : i32
        %mul3A_223 = arith.muli %scan3A_221, %mul3A_222 : i32
        %add3A_224 = arith.constant 4096 : i32
        %add3A_225 = arith.addi %add3A_224, %mul3A_223 : i32
        %get3A_226 = arith.index_cast %add3A_225 : i32 to index
        %get3A_227 = tpu.vector_load %arg6[%get3A_226] {strides = array<i32>} : memref<16384xi32, #tpu.memory_space<vmem>>, vector<16xi32>,
        %gather3A_228 = tpu.vector_load_idx %arg5[%get3A_227] : memref<100000xf32, #tpu.memory_space<vmem>>[vector<16xi32>], vector<16xf32>,
        %mul3A_229 = arith.constant 16 : i32
        %mul3A_230 = arith.muli %scan3A_221, %mul3A_229 : i32
        %swap3A_231 = arith.index_cast %mul3A_230 : i32 to index
        %swap3A_232 = tpu.vector_load %arg8[%swap3A_231] {strides = array<i32>} : memref<4096xf32, #tpu.memory_space<vmem>>, vector<16xf32>,
        tpu.vector_store %arg8[%swap3A_231], %gather3A_228 {strides = array<i32>} : memref<4096xf32, #tpu.memory_space<vmem>>, vector<16xf32>,
        %scan3A_233 = arith.constant 9 : i32
        %scan3A_234 = arith.addi %scan3A_120, %scan3A_233 : i32
        %mul3A_235 = arith.constant 16 : i32
        %mul3A_236 = arith.muli %scan3A_234, %mul3A_235 : i32
        %add3A_237 = arith.constant 4096 : i32
        %add3A_238 = arith.addi %add3A_237, %mul3A_236 : i32
        %get3A_239 = arith.index_cast %add3A_238 : i32 to index
        %get3A_240 = tpu.vector_load %arg6[%get3A_239] {strides = array<i32>} : memref<16384xi32, #tpu.memory_space<vmem>>, vector<16xi32>,
        %gather3A_241 = tpu.vector_load_idx %arg5[%get3A_240] : memref<100000xf32, #tpu.memory_space<vmem>>[vector<16xi32>], vector<16xf32>,
        %mul3A_242 = arith.constant 16 : i32
        %mul3A_243 = arith.muli %scan3A_234, %mul3A_242 : i32
        %swap3A_244 = arith.index_cast %mul3A_243 : i32 to index
        %swap3A_245 = tpu.vector_load %arg8[%swap3A_244] {strides = array<i32>} : memref<4096xf32, #tpu.memory_space<vmem>>, vector<16xf32>,
        tpu.vector_store %arg8[%swap3A_244], %gather3A_241 {strides = array<i32>} : memref<4096xf32, #tpu.memory_space<vmem>>, vector<16xf32>,
        %scan3A_246 = arith.constant 10 : i32
        %scan3A_247 = arith.addi %scan3A_120, %scan3A_246 : i32
        %mul3A_248 = arith.constant 16 : i32
        %mul3A_249 = arith.muli %scan3A_247, %mul3A_248 : i32
        %add3A_250 = arith.constant 4096 : i32
        %add3A_251 = arith.addi %add3A_250, %mul3A_249 : i32
        %get3A_252 = arith.index_cast %add3A_251 : i32 to index
        %get3A_253 = tpu.vector_load %arg6[%get3A_252] {strides = array<i32>} : memref<16384xi32, #tpu.memory_space<vmem>>, vector<16xi32>,
        %gather3A_254 = tpu.vector_load_idx %arg5[%get3A_253] : memref<100000xf32, #tpu.memory_space<vmem>>[vector<16xi32>], vector<16xf32>,
        %mul3A_255 = arith.constant 16 : i32
        %mul3A_256 = arith.muli %scan3A_247, %mul3A_255 : i32
        %swap3A_257 = arith.index_cast %mul3A_256 : i32 to index
        %swap3A_258 = tpu.vector_load %arg8[%swap3A_257] {strides = array<i32>} : memref<4096xf32, #tpu.memory_space<vmem>>, vector<16xf32>,
        tpu.vector_store %arg8[%swap3A_257], %gather3A_254 {strides = array<i32>} : memref<4096xf32, #tpu.memory_space<vmem>>, vector<16xf32>,
        %scan3A_259 = arith.constant 11 : i32
        %scan3A_260 = arith.addi %scan3A_120, %scan3A_259 : i32
        %mul3A_261 = arith.constant 16 : i32
        %mul3A_262 = arith.muli %scan3A_260, %mul3A_261 : i32
        %add3A_263 = arith.constant 4096 : i32
        %add3A_264 = arith.addi %add3A_263, %mul3A_262 : i32
        %get3A_265 = arith.index_cast %add3A_264 : i32 to index
        %get3A_266 = tpu.vector_load %arg6[%get3A_265] {strides = array<i32>} : memref<16384xi32, #tpu.memory_space<vmem>>, vector<16xi32>,
        %gather3A_267 = tpu.vector_load_idx %arg5[%get3A_266] : memref<100000xf32, #tpu.memory_space<vmem>>[vector<16xi32>], vector<16xf32>,
        %mul3A_268 = arith.constant 16 : i32
        %mul3A_269 = arith.muli %scan3A_260, %mul3A_268 : i32
        %swap3A_270 = arith.index_cast %mul3A_269 : i32 to index
        %swap3A_271 = tpu.vector_load %arg8[%swap3A_270] {strides = array<i32>} : memref<4096xf32, #tpu.memory_space<vmem>>, vector<16xf32>,
        tpu.vector_store %arg8[%swap3A_270], %gather3A_267 {strides = array<i32>} : memref<4096xf32, #tpu.memory_space<vmem>>, vector<16xf32>,
        %scan3A_272 = arith.constant 12 : i32
        %scan3A_273 = arith.addi %scan3A_120, %scan3A_272 : i32
        %mul3A_274 = arith.constant 16 : i32
        %mul3A_275 = arith.muli %scan3A_273, %mul3A_274 : i32
        %add3A_276 = arith.constant 4096 : i32
        %add3A_277 = arith.addi %add3A_276, %mul3A_275 : i32
        %get3A_278 = arith.index_cast %add3A_277 : i32 to index
        %get3A_279 = tpu.vector_load %arg6[%get3A_278] {strides = array<i32>} : memref<16384xi32, #tpu.memory_space<vmem>>, vector<16xi32>,
        %gather3A_280 = tpu.vector_load_idx %arg5[%get3A_279] : memref<100000xf32, #tpu.memory_space<vmem>>[vector<16xi32>], vector<16xf32>,
        %mul3A_281 = arith.constant 16 : i32
        %mul3A_282 = arith.muli %scan3A_273, %mul3A_281 : i32
        %swap3A_283 = arith.index_cast %mul3A_282 : i32 to index
        %swap3A_284 = tpu.vector_load %arg8[%swap3A_283] {strides = array<i32>} : memref<4096xf32, #tpu.memory_space<vmem>>, vector<16xf32>,
        tpu.vector_store %arg8[%swap3A_283], %gather3A_280 {strides = array<i32>} : memref<4096xf32, #tpu.memory_space<vmem>>, vector<16xf32>,
        %scan3A_285 = arith.constant 13 : i32
        %scan3A_286 = arith.addi %scan3A_120, %scan3A_285 : i32
        %mul3A_287 = arith.constant 16 : i32
        %mul3A_288 = arith.muli %scan3A_286, %mul3A_287 : i32
        %add3A_289 = arith.constant 4096 : i32
        %add3A_290 = arith.addi %add3A_289, %mul3A_288 : i32
        %get3A_291 = arith.index_cast %add3A_290 : i32 to index
        %get3A_292 = tpu.vector_load %arg6[%get3A_291] {strides = array<i32>} : memref<16384xi32, #tpu.memory_space<vmem>>, vector<16xi32>,
        %gather3A_293 = tpu.vector_load_idx %arg5[%get3A_292] : memref<100000xf32, #tpu.memory_space<vmem>>[vector<16xi32>], vector<16xf32>,
        %mul3A_294 = arith.constant 16 : i32
        %mul3A_295 = arith.muli %scan3A_286, %mul3A_294 : i32
        %swap3A_296 = arith.index_cast %mul3A_295 : i32 to index
        %swap3A_297 = tpu.vector_load %arg8[%swap3A_296] {strides = array<i32>} : memref<4096xf32, #tpu.memory_space<vmem>>, vector<16xf32>,
        tpu.vector_store %arg8[%swap3A_296], %gather3A_293 {strides = array<i32>} : memref<4096xf32, #tpu.memory_space<vmem>>, vector<16xf32>,
        %scan3A_298 = arith.constant 14 : i32
        %scan3A_299 = arith.addi %scan3A_120, %scan3A_298 : i32
        %mul3A_300 = arith.constant 16 : i32
        %mul3A_301 = arith.muli %scan3A_299, %mul3A_300 : i32
        %add3A_302 = arith.constant 4096 : i32
        %add3A_303 = arith.addi %add3A_302, %mul3A_301 : i32
        %get3A_304 = arith.index_cast %add3A_303 : i32 to index
        %get3A_305 = tpu.vector_load %arg6[%get3A_304] {strides = array<i32>} : memref<16384xi32, #tpu.memory_space<vmem>>, vector<16xi32>,
        %gather3A_306 = tpu.vector_load_idx %arg5[%get3A_305] : memref<100000xf32, #tpu.memory_space<vmem>>[vector<16xi32>], vector<16xf32>,
        %mul3A_307 = arith.constant 16 : i32
        %mul3A_308 = arith.muli %scan3A_299, %mul3A_307 : i32
        %swap3A_309 = arith.index_cast %mul3A_308 : i32 to index
        %swap3A_310 = tpu.vector_load %arg8[%swap3A_309] {strides = array<i32>} : memref<4096xf32, #tpu.memory_space<vmem>>, vector<16xf32>,
        tpu.vector_store %arg8[%swap3A_309], %gather3A_306 {strides = array<i32>} : memref<4096xf32, #tpu.memory_space<vmem>>, vector<16xf32>,
        %scan3A_311 = arith.constant 15 : i32
        %scan3A_312 = arith.addi %scan3A_120, %scan3A_311 : i32
        %mul3A_313 = arith.constant 16 : i32
        %mul3A_314 = arith.muli %scan3A_312, %mul3A_313 : i32
        %add3A_315 = arith.constant 4096 : i32
        %add3A_316 = arith.addi %add3A_315, %mul3A_314 : i32
        %get3A_317 = arith.index_cast %add3A_316 : i32 to index
        %get3A_318 = tpu.vector_load %arg6[%get3A_317] {strides = array<i32>} : memref<16384xi32, #tpu.memory_space<vmem>>, vector<16xi32>,
        %gather3A_319 = tpu.vector_load_idx %arg5[%get3A_318] : memref<100000xf32, #tpu.memory_space<vmem>>[vector<16xi32>], vector<16xf32>,
        %mul3A_320 = arith.constant 16 : i32
        %mul3A_321 = arith.muli %scan3A_312, %mul3A_320 : i32
        %swap3A_322 = arith.index_cast %mul3A_321 : i32 to index
        %swap3A_323 = tpu.vector_load %arg8[%swap3A_322] {strides = array<i32>} : memref<4096xf32, #tpu.memory_space<vmem>>, vector<16xf32>,
        tpu.vector_store %arg8[%swap3A_322], %gather3A_319 {strides = array<i32>} : memref<4096xf32, #tpu.memory_space<vmem>>, vector<16xf32>,
        %scan3A_324 = arith.constant 16 : i32
        %scan3A_325 = arith.addi %scan3A_120, %scan3A_324 : i32
        %mul3A_326 = arith.constant 16 : i32
        %mul3A_327 = arith.muli %scan3A_325, %mul3A_326 : i32
        %add3A_328 = arith.constant 4096 : i32
        %add3A_329 = arith.addi %add3A_328, %mul3A_327 : i32
        %get3A_330 = arith.index_cast %add3A_329 : i32 to index
        %get3A_331 = tpu.vector_load %arg6[%get3A_330] {strides = array<i32>} : memref<16384xi32, #tpu.memory_space<vmem>>, vector<16xi32>,
        %gather3A_332 = tpu.vector_load_idx %arg5[%get3A_331] : memref<100000xf32, #tpu.memory_space<vmem>>[vector<16xi32>], vector<16xf32>,
        %mul3A_333 = arith.constant 16 : i32
        %mul3A_334 = arith.muli %scan3A_325, %mul3A_333 : i32
        %swap3A_335 = arith.index_cast %mul3A_334 : i32 to index
        %swap3A_336 = tpu.vector_load %arg8[%swap3A_335] {strides = array<i32>} : memref<4096xf32, #tpu.memory_space<vmem>>, vector<16xf32>,
        tpu.vector_store %arg8[%swap3A_335], %gather3A_332 {strides = array<i32>} : memref<4096xf32, #tpu.memory_space<vmem>>, vector<16xf32>,
        %scan3A_337 = arith.constant 17 : i32
        %scan3A_338 = arith.addi %scan3A_120, %scan3A_337 : i32
        %mul3A_339 = arith.constant 16 : i32
        %mul3A_340 = arith.muli %scan3A_338, %mul3A_339 : i32
        %add3A_341 = arith.constant 4096 : i32
        %add3A_342 = arith.addi %add3A_341, %mul3A_340 : i32
        %get3A_343 = arith.index_cast %add3A_342 : i32 to index
        %get3A_344 = tpu.vector_load %arg6[%get3A_343] {strides = array<i32>} : memref<16384xi32, #tpu.memory_space<vmem>>, vector<16xi32>,
        %gather3A_345 = tpu.vector_load_idx %arg5[%get3A_344] : memref<100000xf32, #tpu.memory_space<vmem>>[vector<16xi32>], vector<16xf32>,
        %mul3A_346 = arith.constant 16 : i32
        %mul3A_347 = arith.muli %scan3A_338, %mul3A_346 : i32
        %swap3A_348 = arith.index_cast %mul3A_347 : i32 to index
        %swap3A_349 = tpu.vector_load %arg8[%swap3A_348] {strides = array<i32>} : memref<4096xf32, #tpu.memory_space<vmem>>, vector<16xf32>,
        tpu.vector_store %arg8[%swap3A_348], %gather3A_345 {strides = array<i32>} : memref<4096xf32, #tpu.memory_space<vmem>>, vector<16xf32>,
        %scan3A_350 = arith.constant 18 : i32
        %scan3A_351 = arith.addi %scan3A_120, %scan3A_350 : i32
        %mul3A_352 = arith.constant 16 : i32
        %mul3A_353 = arith.muli %scan3A_351, %mul3A_352 : i32
        %add3A_354 = arith.constant 4096 : i32
        %add3A_355 = arith.addi %add3A_354, %mul3A_353 : i32
        %get3A_356 = arith.index_cast %add3A_355 : i32 to index
        %get3A_357 = tpu.vector_load %arg6[%get3A_356] {strides = array<i32>} : memref<16384xi32, #tpu.memory_space<vmem>>, vector<16xi32>,
        %gather3A_358 = tpu.vector_load_idx %arg5[%get3A_357] : memref<100000xf32, #tpu.memory_space<vmem>>[vector<16xi32>], vector<16xf32>,
        %mul3A_359 = arith.constant 16 : i32
        %mul3A_360 = arith.muli %scan3A_351, %mul3A_359 : i32
        %swap3A_361 = arith.index_cast %mul3A_360 : i32 to index
        %swap3A_362 = tpu.vector_load %arg8[%swap3A_361] {strides = array<i32>} : memref<4096xf32, #tpu.memory_space<vmem>>, vector<16xf32>,
        tpu.vector_store %arg8[%swap3A_361], %gather3A_358 {strides = array<i32>} : memref<4096xf32, #tpu.memory_space<vmem>>, vector<16xf32>,
        %scan3A_363 = arith.constant 19 : i32
        %scan3A_364 = arith.addi %scan3A_120, %scan3A_363 : i32
        %mul3A_365 = arith.constant 16 : i32
        %mul3A_366 = arith.muli %scan3A_364, %mul3A_365 : i32
        %add3A_367 = arith.constant 4096 : i32
        %add3A_368 = arith.addi %add3A_367, %mul3A_366 : i32
        %get3A_369 = arith.index_cast %add3A_368 : i32 to index
        %get3A_370 = tpu.vector_load %arg6[%get3A_369] {strides = array<i32>} : memref<16384xi32, #tpu.memory_space<vmem>>, vector<16xi32>,
        %gather3A_371 = tpu.vector_load_idx %arg5[%get3A_370] : memref<100000xf32, #tpu.memory_space<vmem>>[vector<16xi32>], vector<16xf32>,
        %mul3A_372 = arith.constant 16 : i32
        %mul3A_373 = arith.muli %scan3A_364, %mul3A_372 : i32
        %swap3A_374 = arith.index_cast %mul3A_373 : i32 to index
        %swap3A_375 = tpu.vector_load %arg8[%swap3A_374] {strides = array<i32>} : memref<4096xf32, #tpu.memory_space<vmem>>, vector<16xf32>,
        tpu.vector_store %arg8[%swap3A_374], %gather3A_371 {strides = array<i32>} : memref<4096xf32, #tpu.memory_space<vmem>>, vector<16xf32>,
        %scan3A_376 = arith.constant 20 : i32
        %scan3A_377 = arith.addi %scan3A_120, %scan3A_376 : i32
        %mul3A_378 = arith.constant 16 : i32
        %mul3A_379 = arith.muli %scan3A_377, %mul3A_378 : i32
        %add3A_380 = arith.constant 4096 : i32
        %add3A_381 = arith.addi %add3A_380, %mul3A_379 : i32
        %get3A_382 = arith.index_cast %add3A_381 : i32 to index
        %get3A_383 = tpu.vector_load %arg6[%get3A_382] {strides = array<i32>} : memref<16384xi32, #tpu.memory_space<vmem>>, vector<16xi32>,
        %gather3A_384 = tpu.vector_load_idx %arg5[%get3A_383] : memref<100000xf32, #tpu.memory_space<vmem>>[vector<16xi32>], vector<16xf32>,
        %mul3A_385 = arith.constant 16 : i32
        %mul3A_386 = arith.muli %scan3A_377, %mul3A_385 : i32
        %swap3A_387 = arith.index_cast %mul3A_386 : i32 to index
        %swap3A_388 = tpu.vector_load %arg8[%swap3A_387] {strides = array<i32>} : memref<4096xf32, #tpu.memory_space<vmem>>, vector<16xf32>,
        tpu.vector_store %arg8[%swap3A_387], %gather3A_384 {strides = array<i32>} : memref<4096xf32, #tpu.memory_space<vmem>>, vector<16xf32>,
        %scan3A_389 = arith.constant 21 : i32
        %scan3A_390 = arith.addi %scan3A_120, %scan3A_389 : i32
        %mul3A_391 = arith.constant 16 : i32
        %mul3A_392 = arith.muli %scan3A_390, %mul3A_391 : i32
        %add3A_393 = arith.constant 4096 : i32
        %add3A_394 = arith.addi %add3A_393, %mul3A_392 : i32
        %get3A_395 = arith.index_cast %add3A_394 : i32 to index
        %get3A_396 = tpu.vector_load %arg6[%get3A_395] {strides = array<i32>} : memref<16384xi32, #tpu.memory_space<vmem>>, vector<16xi32>,
        %gather3A_397 = tpu.vector_load_idx %arg5[%get3A_396] : memref<100000xf32, #tpu.memory_space<vmem>>[vector<16xi32>], vector<16xf32>,
        %mul3A_398 = arith.constant 16 : i32
        %mul3A_399 = arith.muli %scan3A_390, %mul3A_398 : i32
        %swap3A_400 = arith.index_cast %mul3A_399 : i32 to index
        %swap3A_401 = tpu.vector_load %arg8[%swap3A_400] {strides = array<i32>} : memref<4096xf32, #tpu.memory_space<vmem>>, vector<16xf32>,
        tpu.vector_store %arg8[%swap3A_400], %gather3A_397 {strides = array<i32>} : memref<4096xf32, #tpu.memory_space<vmem>>, vector<16xf32>,
        %scan3A_402 = arith.constant 22 : i32
        %scan3A_403 = arith.addi %scan3A_120, %scan3A_402 : i32
        %mul3A_404 = arith.constant 16 : i32
        %mul3A_405 = arith.muli %scan3A_403, %mul3A_404 : i32
        %add3A_406 = arith.constant 4096 : i32
        %add3A_407 = arith.addi %add3A_406, %mul3A_405 : i32
        %get3A_408 = arith.index_cast %add3A_407 : i32 to index
        %get3A_409 = tpu.vector_load %arg6[%get3A_408] {strides = array<i32>} : memref<16384xi32, #tpu.memory_space<vmem>>, vector<16xi32>,
        %gather3A_410 = tpu.vector_load_idx %arg5[%get3A_409] : memref<100000xf32, #tpu.memory_space<vmem>>[vector<16xi32>], vector<16xf32>,
        %mul3A_411 = arith.constant 16 : i32
        %mul3A_412 = arith.muli %scan3A_403, %mul3A_411 : i32
        %swap3A_413 = arith.index_cast %mul3A_412 : i32 to index
        %swap3A_414 = tpu.vector_load %arg8[%swap3A_413] {strides = array<i32>} : memref<4096xf32, #tpu.memory_space<vmem>>, vector<16xf32>,
        tpu.vector_store %arg8[%swap3A_413], %gather3A_410 {strides = array<i32>} : memref<4096xf32, #tpu.memory_space<vmem>>, vector<16xf32>,
        %scan3A_415 = arith.constant 23 : i32
        %scan3A_416 = arith.addi %scan3A_120, %scan3A_415 : i32
        %mul3A_417 = arith.constant 16 : i32
        %mul3A_418 = arith.muli %scan3A_416, %mul3A_417 : i32
        %add3A_419 = arith.constant 4096 : i32
        %add3A_420 = arith.addi %add3A_419, %mul3A_418 : i32
        %get3A_421 = arith.index_cast %add3A_420 : i32 to index
        %get3A_422 = tpu.vector_load %arg6[%get3A_421] {strides = array<i32>} : memref<16384xi32, #tpu.memory_space<vmem>>, vector<16xi32>,
        %gather3A_423 = tpu.vector_load_idx %arg5[%get3A_422] : memref<100000xf32, #tpu.memory_space<vmem>>[vector<16xi32>], vector<16xf32>,
        %mul3A_424 = arith.constant 16 : i32
        %mul3A_425 = arith.muli %scan3A_416, %mul3A_424 : i32
        %swap3A_426 = arith.index_cast %mul3A_425 : i32 to index
        %swap3A_427 = tpu.vector_load %arg8[%swap3A_426] {strides = array<i32>} : memref<4096xf32, #tpu.memory_space<vmem>>, vector<16xf32>,
        tpu.vector_store %arg8[%swap3A_426], %gather3A_423 {strides = array<i32>} : memref<4096xf32, #tpu.memory_space<vmem>>, vector<16xf32>,
        %scan3A_428 = arith.constant 24 : i32
        %scan3A_429 = arith.addi %scan3A_120, %scan3A_428 : i32
        %mul3A_430 = arith.constant 16 : i32
        %mul3A_431 = arith.muli %scan3A_429, %mul3A_430 : i32
        %add3A_432 = arith.constant 4096 : i32
        %add3A_433 = arith.addi %add3A_432, %mul3A_431 : i32
        %get3A_434 = arith.index_cast %add3A_433 : i32 to index
        %get3A_435 = tpu.vector_load %arg6[%get3A_434] {strides = array<i32>} : memref<16384xi32, #tpu.memory_space<vmem>>, vector<16xi32>,
        %gather3A_436 = tpu.vector_load_idx %arg5[%get3A_435] : memref<100000xf32, #tpu.memory_space<vmem>>[vector<16xi32>], vector<16xf32>,
        %mul3A_437 = arith.constant 16 : i32
        %mul3A_438 = arith.muli %scan3A_429, %mul3A_437 : i32
        %swap3A_439 = arith.index_cast %mul3A_438 : i32 to index
        %swap3A_440 = tpu.vector_load %arg8[%swap3A_439] {strides = array<i32>} : memref<4096xf32, #tpu.memory_space<vmem>>, vector<16xf32>,
        tpu.vector_store %arg8[%swap3A_439], %gather3A_436 {strides = array<i32>} : memref<4096xf32, #tpu.memory_space<vmem>>, vector<16xf32>,
        %scan3A_441 = arith.constant 25 : i32
        %scan3A_442 = arith.addi %scan3A_120, %scan3A_441 : i32
        %mul3A_443 = arith.constant 16 : i32
        %mul3A_444 = arith.muli %scan3A_442, %mul3A_443 : i32
        %add3A_445 = arith.constant 4096 : i32
        %add3A_446 = arith.addi %add3A_445, %mul3A_444 : i32
        %get3A_447 = arith.index_cast %add3A_446 : i32 to index
        %get3A_448 = tpu.vector_load %arg6[%get3A_447] {strides = array<i32>} : memref<16384xi32, #tpu.memory_space<vmem>>, vector<16xi32>,
        %gather3A_449 = tpu.vector_load_idx %arg5[%get3A_448] : memref<100000xf32, #tpu.memory_space<vmem>>[vector<16xi32>], vector<16xf32>,
        %mul3A_450 = arith.constant 16 : i32
        %mul3A_451 = arith.muli %scan3A_442, %mul3A_450 : i32
        %swap3A_452 = arith.index_cast %mul3A_451 : i32 to index
        %swap3A_453 = tpu.vector_load %arg8[%swap3A_452] {strides = array<i32>} : memref<4096xf32, #tpu.memory_space<vmem>>, vector<16xf32>,
        tpu.vector_store %arg8[%swap3A_452], %gather3A_449 {strides = array<i32>} : memref<4096xf32, #tpu.memory_space<vmem>>, vector<16xf32>,
        %scan3A_454 = arith.constant 26 : i32
        %scan3A_455 = arith.addi %scan3A_120, %scan3A_454 : i32
        %mul3A_456 = arith.constant 16 : i32
        %mul3A_457 = arith.muli %scan3A_455, %mul3A_456 : i32
        %add3A_458 = arith.constant 4096 : i32
        %add3A_459 = arith.addi %add3A_458, %mul3A_457 : i32
        %get3A_460 = arith.index_cast %add3A_459 : i32 to index
        %get3A_461 = tpu.vector_load %arg6[%get3A_460] {strides = array<i32>} : memref<16384xi32, #tpu.memory_space<vmem>>, vector<16xi32>,
        %gather3A_462 = tpu.vector_load_idx %arg5[%get3A_461] : memref<100000xf32, #tpu.memory_space<vmem>>[vector<16xi32>], vector<16xf32>,
        %mul3A_463 = arith.constant 16 : i32
        %mul3A_464 = arith.muli %scan3A_455, %mul3A_463 : i32
        %swap3A_465 = arith.index_cast %mul3A_464 : i32 to index
        %swap3A_466 = tpu.vector_load %arg8[%swap3A_465] {strides = array<i32>} : memref<4096xf32, #tpu.memory_space<vmem>>, vector<16xf32>,
        tpu.vector_store %arg8[%swap3A_465], %gather3A_462 {strides = array<i32>} : memref<4096xf32, #tpu.memory_space<vmem>>, vector<16xf32>,
        %scan3A_467 = arith.constant 27 : i32
        %scan3A_468 = arith.addi %scan3A_120, %scan3A_467 : i32
        %mul3A_469 = arith.constant 16 : i32
        %mul3A_470 = arith.muli %scan3A_468, %mul3A_469 : i32
        %add3A_471 = arith.constant 4096 : i32
        %add3A_472 = arith.addi %add3A_471, %mul3A_470 : i32
        %get3A_473 = arith.index_cast %add3A_472 : i32 to index
        %get3A_474 = tpu.vector_load %arg6[%get3A_473] {strides = array<i32>} : memref<16384xi32, #tpu.memory_space<vmem>>, vector<16xi32>,
        %gather3A_475 = tpu.vector_load_idx %arg5[%get3A_474] : memref<100000xf32, #tpu.memory_space<vmem>>[vector<16xi32>], vector<16xf32>,
        %mul3A_476 = arith.constant 16 : i32
        %mul3A_477 = arith.muli %scan3A_468, %mul3A_476 : i32
        %swap3A_478 = arith.index_cast %mul3A_477 : i32 to index
        %swap3A_479 = tpu.vector_load %arg8[%swap3A_478] {strides = array<i32>} : memref<4096xf32, #tpu.memory_space<vmem>>, vector<16xf32>,
        tpu.vector_store %arg8[%swap3A_478], %gather3A_475 {strides = array<i32>} : memref<4096xf32, #tpu.memory_space<vmem>>, vector<16xf32>,
        %scan3A_480 = arith.constant 28 : i32
        %scan3A_481 = arith.addi %scan3A_120, %scan3A_480 : i32
        %mul3A_482 = arith.constant 16 : i32
        %mul3A_483 = arith.muli %scan3A_481, %mul3A_482 : i32
        %add3A_484 = arith.constant 4096 : i32
        %add3A_485 = arith.addi %add3A_484, %mul3A_483 : i32
        %get3A_486 = arith.index_cast %add3A_485 : i32 to index
        %get3A_487 = tpu.vector_load %arg6[%get3A_486] {strides = array<i32>} : memref<16384xi32, #tpu.memory_space<vmem>>, vector<16xi32>,
        %gather3A_488 = tpu.vector_load_idx %arg5[%get3A_487] : memref<100000xf32, #tpu.memory_space<vmem>>[vector<16xi32>], vector<16xf32>,
        %mul3A_489 = arith.constant 16 : i32
        %mul3A_490 = arith.muli %scan3A_481, %mul3A_489 : i32
        %swap3A_491 = arith.index_cast %mul3A_490 : i32 to index
        %swap3A_492 = tpu.vector_load %arg8[%swap3A_491] {strides = array<i32>} : memref<4096xf32, #tpu.memory_space<vmem>>, vector<16xf32>,
        tpu.vector_store %arg8[%swap3A_491], %gather3A_488 {strides = array<i32>} : memref<4096xf32, #tpu.memory_space<vmem>>, vector<16xf32>,
        %scan3A_493 = arith.constant 29 : i32
        %scan3A_494 = arith.addi %scan3A_120, %scan3A_493 : i32
        %mul3A_495 = arith.constant 16 : i32
        %mul3A_496 = arith.muli %scan3A_494, %mul3A_495 : i32
        %add3A_497 = arith.constant 4096 : i32
        %add3A_498 = arith.addi %add3A_497, %mul3A_496 : i32
        %get3A_499 = arith.index_cast %add3A_498 : i32 to index
        %get3A_500 = tpu.vector_load %arg6[%get3A_499] {strides = array<i32>} : memref<16384xi32, #tpu.memory_space<vmem>>, vector<16xi32>,
        %gather3A_501 = tpu.vector_load_idx %arg5[%get3A_500] : memref<100000xf32, #tpu.memory_space<vmem>>[vector<16xi32>], vector<16xf32>,
        %mul3A_502 = arith.constant 16 : i32
        %mul3A_503 = arith.muli %scan3A_494, %mul3A_502 : i32
        %swap3A_504 = arith.index_cast %mul3A_503 : i32 to index
        %swap3A_505 = tpu.vector_load %arg8[%swap3A_504] {strides = array<i32>} : memref<4096xf32, #tpu.memory_space<vmem>>, vector<16xf32>,
        tpu.vector_store %arg8[%swap3A_504], %gather3A_501 {strides = array<i32>} : memref<4096xf32, #tpu.memory_space<vmem>>, vector<16xf32>,
        %scan3A_506 = arith.constant 30 : i32
        %scan3A_507 = arith.addi %scan3A_120, %scan3A_506 : i32
        %mul3A_508 = arith.constant 16 : i32
        %mul3A_509 = arith.muli %scan3A_507, %mul3A_508 : i32
        %add3A_510 = arith.constant 4096 : i32
        %add3A_511 = arith.addi %add3A_510, %mul3A_509 : i32
        %get3A_512 = arith.index_cast %add3A_511 : i32 to index
        %get3A_513 = tpu.vector_load %arg6[%get3A_512] {strides = array<i32>} : memref<16384xi32, #tpu.memory_space<vmem>>, vector<16xi32>,
        %gather3A_514 = tpu.vector_load_idx %arg5[%get3A_513] : memref<100000xf32, #tpu.memory_space<vmem>>[vector<16xi32>], vector<16xf32>,
        %mul3A_515 = arith.constant 16 : i32
        %mul3A_516 = arith.muli %scan3A_507, %mul3A_515 : i32
        %swap3A_517 = arith.index_cast %mul3A_516 : i32 to index
        %swap3A_518 = tpu.vector_load %arg8[%swap3A_517] {strides = array<i32>} : memref<4096xf32, #tpu.memory_space<vmem>>, vector<16xf32>,
        tpu.vector_store %arg8[%swap3A_517], %gather3A_514 {strides = array<i32>} : memref<4096xf32, #tpu.memory_space<vmem>>, vector<16xf32>,
        %scan3A_519 = arith.constant 31 : i32
        %scan3A_520 = arith.addi %scan3A_120, %scan3A_519 : i32
        %mul3A_521 = arith.constant 16 : i32
        %mul3A_522 = arith.muli %scan3A_520, %mul3A_521 : i32
        %add3A_523 = arith.constant 4096 : i32
        %add3A_524 = arith.addi %add3A_523, %mul3A_522 : i32
        %get3A_525 = arith.index_cast %add3A_524 : i32 to index
        %get3A_526 = tpu.vector_load %arg6[%get3A_525] {strides = array<i32>} : memref<16384xi32, #tpu.memory_space<vmem>>, vector<16xi32>,
        %gather3A_527 = tpu.vector_load_idx %arg5[%get3A_526] : memref<100000xf32, #tpu.memory_space<vmem>>[vector<16xi32>], vector<16xf32>,
        %mul3A_528 = arith.constant 16 : i32
        %mul3A_529 = arith.muli %scan3A_520, %mul3A_528 : i32
        %swap3A_530 = arith.index_cast %mul3A_529 : i32 to index
        %swap3A_531 = tpu.vector_load %arg8[%swap3A_530] {strides = array<i32>} : memref<4096xf32, #tpu.memory_space<vmem>>, vector<16xf32>,
        tpu.vector_store %arg8[%swap3A_530], %gather3A_527 {strides = array<i32>} : memref<4096xf32, #tpu.memory_space<vmem>>, vector<16xf32>,
      }
      %scan3A_75 = arith.constant 256 : i32
      %dma_start3A_76 = arith.constant 4096 : i32
      %dma_start3A_77 = tpu.memref_slice %arg4[%add3A_22, %dma_start3A_76] : memref<832x16384xf32, #tpu.memory_space<hbm>> -> memref<1x4096xf32, #tpu.memory_space<hbm>>
      %dma_start3A_78 = tpu.memref_squeeze %dma_start3A_77 : memref<1x4096xf32, #tpu.memory_space<hbm>> -> memref<4096xf32, #tpu.memory_space<hbm>>
      %dma_start3A_79 = arith.constant 4096 : i32
      %dma_start3A_80 = tpu.memref_slice %arg4[%add3A_22, %dma_start3A_79] : memref<832x16384xf32, #tpu.memory_space<hbm>> -> memref<1x4096xf32, #tpu.memory_space<hbm>>
      %dma_start3A_81 = tpu.memref_squeeze %dma_start3A_80 : memref<1x4096xf32, #tpu.memory_space<hbm>> -> memref<4096xf32, #tpu.memory_space<hbm>>
      tpu.enqueue_dma source(%arg8 : memref<4096xf32, #tpu.memory_space<vmem>>) target(%dma_start3A_81 : memref<4096xf32, #tpu.memory_space<hbm>>) target_semaphore(%arg11 : memref<!tpu.dma_semaphore, #tpu.memory_space<semaphore_mem>>)
      %dma_wait3A_82 = arith.constant 0 : i32
      %dma_wait3A_83 = arith.constant 0 : i32
      %dma_wait3A_84 = tpu.memref_slice %arg4[%dma_wait3A_82, %dma_wait3A_83] : memref<832x16384xf32, #tpu.memory_space<hbm>> -> memref<1x4096xf32, #tpu.memory_space<hbm>>
      %dma_wait3A_85 = tpu.memref_squeeze %dma_wait3A_84 : memref<1x4096xf32, #tpu.memory_space<hbm>> -> memref<4096xf32, #tpu.memory_space<hbm>>
      %dma_wait3A_86 = arith.constant 0 : i32
      %dma_wait3A_87 = tpu.memref_slice %arg4[%dma_wait3A_82, %dma_wait3A_86] : memref<832x16384xf32, #tpu.memory_space<hbm>> -> memref<1x4096xf32, #tpu.memory_space<hbm>>
      %dma_wait3A_88 = tpu.memref_squeeze %dma_wait3A_87 : memref<1x4096xf32, #tpu.memory_space<hbm>> -> memref<4096xf32, #tpu.memory_space<hbm>>
      tpu.wait_dma2 semaphore(%arg10 : memref<!tpu.dma_semaphore, #tpu.memory_space<semaphore_mem>>) src(%arg7 : memref<4096xf32, #tpu.memory_space<vmem>>) dst(%dma_wait3A_88 : memref<4096xf32, #tpu.memory_space<hbm>>)
      %scan3A_89 = arith.constant 0 : i32
      %scan3A_90 = arith.constant 0 : i32
      %scan3A_91 = arith.constant 256 : i32
      %scan3A_92 = arith.addi %scan3A_90, %scan3A_91 : i32
      %scan3A_93 = arith.constant 32 : i32
      scf.for %scan3A_120 = %scan3A_90 to %scan3A_92 step %scan3A_93  : i32 {
        %mul3A_121 = arith.constant 16 : i32
        %mul3A_122 = arith.muli %scan3A_120, %mul3A_121 : i32
        %add3A_123 = arith.constant 8192 : i32
        %add3A_124 = arith.addi %add3A_123, %mul3A_122 : i32
        %get3A = arith.index_cast %add3A_124 : i32 to index
        %get3A_125 = tpu.vector_load %arg6[%get3A] {strides = array<i32>} : memref<16384xi32, #tpu.memory_space<vmem>>, vector<16xi32>,
        %gather3A = tpu.vector_load_idx %arg5[%get3A_125] : memref<100000xf32, #tpu.memory_space<vmem>>[vector<16xi32>], vector<16xf32>,
        %mul3A_126 = arith.constant 16 : i32
        %mul3A_127 = arith.muli %scan3A_120, %mul3A_126 : i32
        %swap3A = arith.index_cast %mul3A_127 : i32 to index
        %swap3A_128 = tpu.vector_load %arg7[%swap3A] {strides = array<i32>} : memref<4096xf32, #tpu.memory_space<vmem>>, vector<16xf32>,
        tpu.vector_store %arg7[%swap3A], %gather3A {strides = array<i32>} : memref<4096xf32, #tpu.memory_space<vmem>>, vector<16xf32>,
        %scan3A_129 = arith.constant 1 : i32
        %scan3A_130 = arith.addi %scan3A_120, %scan3A_129 : i32
        %mul3A_131 = arith.constant 16 : i32
        %mul3A_132 = arith.muli %scan3A_130, %mul3A_131 : i32
        %add3A_133 = arith.constant 8192 : i32
        %add3A_134 = arith.addi %add3A_133, %mul3A_132 : i32
        %get3A_135 = arith.index_cast %add3A_134 : i32 to index
        %get3A_136 = tpu.vector_load %arg6[%get3A_135] {strides = array<i32>} : memref<16384xi32, #tpu.memory_space<vmem>>, vector<16xi32>,
        %gather3A_137 = tpu.vector_load_idx %arg5[%get3A_136] : memref<100000xf32, #tpu.memory_space<vmem>>[vector<16xi32>], vector<16xf32>,
        %mul3A_138 = arith.constant 16 : i32
        %mul3A_139 = arith.muli %scan3A_130, %mul3A_138 : i32
        %swap3A_140 = arith.index_cast %mul3A_139 : i32 to index
        %swap3A_141 = tpu.vector_load %arg7[%swap3A_140] {strides = array<i32>} : memref<4096xf32, #tpu.memory_space<vmem>>, vector<16xf32>,
        tpu.vector_store %arg7[%swap3A_140], %gather3A_137 {strides = array<i32>} : memref<4096xf32, #tpu.memory_space<vmem>>, vector<16xf32>,
        %scan3A_142 = arith.constant 2 : i32
        %scan3A_143 = arith.addi %scan3A_120, %scan3A_142 : i32
        %mul3A_144 = arith.constant 16 : i32
        %mul3A_145 = arith.muli %scan3A_143, %mul3A_144 : i32
        %add3A_146 = arith.constant 8192 : i32
        %add3A_147 = arith.addi %add3A_146, %mul3A_145 : i32
        %get3A_148 = arith.index_cast %add3A_147 : i32 to index
        %get3A_149 = tpu.vector_load %arg6[%get3A_148] {strides = array<i32>} : memref<16384xi32, #tpu.memory_space<vmem>>, vector<16xi32>,
        %gather3A_150 = tpu.vector_load_idx %arg5[%get3A_149] : memref<100000xf32, #tpu.memory_space<vmem>>[vector<16xi32>], vector<16xf32>,
        %mul3A_151 = arith.constant 16 : i32
        %mul3A_152 = arith.muli %scan3A_143, %mul3A_151 : i32
        %swap3A_153 = arith.index_cast %mul3A_152 : i32 to index
        %swap3A_154 = tpu.vector_load %arg7[%swap3A_153] {strides = array<i32>} : memref<4096xf32, #tpu.memory_space<vmem>>, vector<16xf32>,
        tpu.vector_store %arg7[%swap3A_153], %gather3A_150 {strides = array<i32>} : memref<4096xf32, #tpu.memory_space<vmem>>, vector<16xf32>,
        %scan3A_155 = arith.constant 3 : i32
        %scan3A_156 = arith.addi %scan3A_120, %scan3A_155 : i32
        %mul3A_157 = arith.constant 16 : i32
        %mul3A_158 = arith.muli %scan3A_156, %mul3A_157 : i32
        %add3A_159 = arith.constant 8192 : i32
        %add3A_160 = arith.addi %add3A_159, %mul3A_158 : i32
        %get3A_161 = arith.index_cast %add3A_160 : i32 to index
        %get3A_162 = tpu.vector_load %arg6[%get3A_161] {strides = array<i32>} : memref<16384xi32, #tpu.memory_space<vmem>>, vector<16xi32>,
        %gather3A_163 = tpu.vector_load_idx %arg5[%get3A_162] : memref<100000xf32, #tpu.memory_space<vmem>>[vector<16xi32>], vector<16xf32>,
        %mul3A_164 = arith.constant 16 : i32
        %mul3A_165 = arith.muli %scan3A_156, %mul3A_164 : i32
        %swap3A_166 = arith.index_cast %mul3A_165 : i32 to index
        %swap3A_167 = tpu.vector_load %arg7[%swap3A_166] {strides = array<i32>} : memref<4096xf32, #tpu.memory_space<vmem>>, vector<16xf32>,
        tpu.vector_store %arg7[%swap3A_166], %gather3A_163 {strides = array<i32>} : memref<4096xf32, #tpu.memory_space<vmem>>, vector<16xf32>,
        %scan3A_168 = arith.constant 4 : i32
        %scan3A_169 = arith.addi %scan3A_120, %scan3A_168 : i32
        %mul3A_170 = arith.constant 16 : i32
        %mul3A_171 = arith.muli %scan3A_169, %mul3A_170 : i32
        %add3A_172 = arith.constant 8192 : i32
        %add3A_173 = arith.addi %add3A_172, %mul3A_171 : i32
        %get3A_174 = arith.index_cast %add3A_173 : i32 to index
        %get3A_175 = tpu.vector_load %arg6[%get3A_174] {strides = array<i32>} : memref<16384xi32, #tpu.memory_space<vmem>>, vector<16xi32>,
        %gather3A_176 = tpu.vector_load_idx %arg5[%get3A_175] : memref<100000xf32, #tpu.memory_space<vmem>>[vector<16xi32>], vector<16xf32>,
        %mul3A_177 = arith.constant 16 : i32
        %mul3A_178 = arith.muli %scan3A_169, %mul3A_177 : i32
        %swap3A_179 = arith.index_cast %mul3A_178 : i32 to index
        %swap3A_180 = tpu.vector_load %arg7[%swap3A_179] {strides = array<i32>} : memref<4096xf32, #tpu.memory_space<vmem>>, vector<16xf32>,
        tpu.vector_store %arg7[%swap3A_179], %gather3A_176 {strides = array<i32>} : memref<4096xf32, #tpu.memory_space<vmem>>, vector<16xf32>,
        %scan3A_181 = arith.constant 5 : i32
        %scan3A_182 = arith.addi %scan3A_120, %scan3A_181 : i32
        %mul3A_183 = arith.constant 16 : i32
        %mul3A_184 = arith.muli %scan3A_182, %mul3A_183 : i32
        %add3A_185 = arith.constant 8192 : i32
        %add3A_186 = arith.addi %add3A_185, %mul3A_184 : i32
        %get3A_187 = arith.index_cast %add3A_186 : i32 to index
        %get3A_188 = tpu.vector_load %arg6[%get3A_187] {strides = array<i32>} : memref<16384xi32, #tpu.memory_space<vmem>>, vector<16xi32>,
        %gather3A_189 = tpu.vector_load_idx %arg5[%get3A_188] : memref<100000xf32, #tpu.memory_space<vmem>>[vector<16xi32>], vector<16xf32>,
        %mul3A_190 = arith.constant 16 : i32
        %mul3A_191 = arith.muli %scan3A_182, %mul3A_190 : i32
        %swap3A_192 = arith.index_cast %mul3A_191 : i32 to index
        %swap3A_193 = tpu.vector_load %arg7[%swap3A_192] {strides = array<i32>} : memref<4096xf32, #tpu.memory_space<vmem>>, vector<16xf32>,
        tpu.vector_store %arg7[%swap3A_192], %gather3A_189 {strides = array<i32>} : memref<4096xf32, #tpu.memory_space<vmem>>, vector<16xf32>,
        %scan3A_194 = arith.constant 6 : i32
        %scan3A_195 = arith.addi %scan3A_120, %scan3A_194 : i32
        %mul3A_196 = arith.constant 16 : i32
        %mul3A_197 = arith.muli %scan3A_195, %mul3A_196 : i32
        %add3A_198 = arith.constant 8192 : i32
        %add3A_199 = arith.addi %add3A_198, %mul3A_197 : i32
        %get3A_200 = arith.index_cast %add3A_199 : i32 to index
        %get3A_201 = tpu.vector_load %arg6[%get3A_200] {strides = array<i32>} : memref<16384xi32, #tpu.memory_space<vmem>>, vector<16xi32>,
        %gather3A_202 = tpu.vector_load_idx %arg5[%get3A_201] : memref<100000xf32, #tpu.memory_space<vmem>>[vector<16xi32>], vector<16xf32>,
        %mul3A_203 = arith.constant 16 : i32
        %mul3A_204 = arith.muli %scan3A_195, %mul3A_203 : i32
        %swap3A_205 = arith.index_cast %mul3A_204 : i32 to index
        %swap3A_206 = tpu.vector_load %arg7[%swap3A_205] {strides = array<i32>} : memref<4096xf32, #tpu.memory_space<vmem>>, vector<16xf32>,
        tpu.vector_store %arg7[%swap3A_205], %gather3A_202 {strides = array<i32>} : memref<4096xf32, #tpu.memory_space<vmem>>, vector<16xf32>,
        %scan3A_207 = arith.constant 7 : i32
        %scan3A_208 = arith.addi %scan3A_120, %scan3A_207 : i32
        %mul3A_209 = arith.constant 16 : i32
        %mul3A_210 = arith.muli %scan3A_208, %mul3A_209 : i32
        %add3A_211 = arith.constant 8192 : i32
        %add3A_212 = arith.addi %add3A_211, %mul3A_210 : i32
        %get3A_213 = arith.index_cast %add3A_212 : i32 to index
        %get3A_214 = tpu.vector_load %arg6[%get3A_213] {strides = array<i32>} : memref<16384xi32, #tpu.memory_space<vmem>>, vector<16xi32>,
        %gather3A_215 = tpu.vector_load_idx %arg5[%get3A_214] : memref<100000xf32, #tpu.memory_space<vmem>>[vector<16xi32>], vector<16xf32>,
        %mul3A_216 = arith.constant 16 : i32
        %mul3A_217 = arith.muli %scan3A_208, %mul3A_216 : i32
        %swap3A_218 = arith.index_cast %mul3A_217 : i32 to index
        %swap3A_219 = tpu.vector_load %arg7[%swap3A_218] {strides = array<i32>} : memref<4096xf32, #tpu.memory_space<vmem>>, vector<16xf32>,
        tpu.vector_store %arg7[%swap3A_218], %gather3A_215 {strides = array<i32>} : memref<4096xf32, #tpu.memory_space<vmem>>, vector<16xf32>,
        %scan3A_220 = arith.constant 8 : i32
        %scan3A_221 = arith.addi %scan3A_120, %scan3A_220 : i32
        %mul3A_222 = arith.constant 16 : i32
        %mul3A_223 = arith.muli %scan3A_221, %mul3A_222 : i32
        %add3A_224 = arith.constant 8192 : i32
        %add3A_225 = arith.addi %add3A_224, %mul3A_223 : i32
        %get3A_226 = arith.index_cast %add3A_225 : i32 to index
        %get3A_227 = tpu.vector_load %arg6[%get3A_226] {strides = array<i32>} : memref<16384xi32, #tpu.memory_space<vmem>>, vector<16xi32>,
        %gather3A_228 = tpu.vector_load_idx %arg5[%get3A_227] : memref<100000xf32, #tpu.memory_space<vmem>>[vector<16xi32>], vector<16xf32>,
        %mul3A_229 = arith.constant 16 : i32
        %mul3A_230 = arith.muli %scan3A_221, %mul3A_229 : i32
        %swap3A_231 = arith.index_cast %mul3A_230 : i32 to index
        %swap3A_232 = tpu.vector_load %arg7[%swap3A_231] {strides = array<i32>} : memref<4096xf32, #tpu.memory_space<vmem>>, vector<16xf32>,
        tpu.vector_store %arg7[%swap3A_231], %gather3A_228 {strides = array<i32>} : memref<4096xf32, #tpu.memory_space<vmem>>, vector<16xf32>,
        %scan3A_233 = arith.constant 9 : i32
        %scan3A_234 = arith.addi %scan3A_120, %scan3A_233 : i32
        %mul3A_235 = arith.constant 16 : i32
        %mul3A_236 = arith.muli %scan3A_234, %mul3A_235 : i32
        %add3A_237 = arith.constant 8192 : i32
        %add3A_238 = arith.addi %add3A_237, %mul3A_236 : i32
        %get3A_239 = arith.index_cast %add3A_238 : i32 to index
        %get3A_240 = tpu.vector_load %arg6[%get3A_239] {strides = array<i32>} : memref<16384xi32, #tpu.memory_space<vmem>>, vector<16xi32>,
        %gather3A_241 = tpu.vector_load_idx %arg5[%get3A_240] : memref<100000xf32, #tpu.memory_space<vmem>>[vector<16xi32>], vector<16xf32>,
        %mul3A_242 = arith.constant 16 : i32
        %mul3A_243 = arith.muli %scan3A_234, %mul3A_242 : i32
        %swap3A_244 = arith.index_cast %mul3A_243 : i32 to index
        %swap3A_245 = tpu.vector_load %arg7[%swap3A_244] {strides = array<i32>} : memref<4096xf32, #tpu.memory_space<vmem>>, vector<16xf32>,
        tpu.vector_store %arg7[%swap3A_244], %gather3A_241 {strides = array<i32>} : memref<4096xf32, #tpu.memory_space<vmem>>, vector<16xf32>,
        %scan3A_246 = arith.constant 10 : i32
        %scan3A_247 = arith.addi %scan3A_120, %scan3A_246 : i32
        %mul3A_248 = arith.constant 16 : i32
        %mul3A_249 = arith.muli %scan3A_247, %mul3A_248 : i32
        %add3A_250 = arith.constant 8192 : i32
        %add3A_251 = arith.addi %add3A_250, %mul3A_249 : i32
        %get3A_252 = arith.index_cast %add3A_251 : i32 to index
        %get3A_253 = tpu.vector_load %arg6[%get3A_252] {strides = array<i32>} : memref<16384xi32, #tpu.memory_space<vmem>>, vector<16xi32>,
        %gather3A_254 = tpu.vector_load_idx %arg5[%get3A_253] : memref<100000xf32, #tpu.memory_space<vmem>>[vector<16xi32>], vector<16xf32>,
        %mul3A_255 = arith.constant 16 : i32
        %mul3A_256 = arith.muli %scan3A_247, %mul3A_255 : i32
        %swap3A_257 = arith.index_cast %mul3A_256 : i32 to index
        %swap3A_258 = tpu.vector_load %arg7[%swap3A_257] {strides = array<i32>} : memref<4096xf32, #tpu.memory_space<vmem>>, vector<16xf32>,
        tpu.vector_store %arg7[%swap3A_257], %gather3A_254 {strides = array<i32>} : memref<4096xf32, #tpu.memory_space<vmem>>, vector<16xf32>,
        %scan3A_259 = arith.constant 11 : i32
        %scan3A_260 = arith.addi %scan3A_120, %scan3A_259 : i32
        %mul3A_261 = arith.constant 16 : i32
        %mul3A_262 = arith.muli %scan3A_260, %mul3A_261 : i32
        %add3A_263 = arith.constant 8192 : i32
        %add3A_264 = arith.addi %add3A_263, %mul3A_262 : i32
        %get3A_265 = arith.index_cast %add3A_264 : i32 to index
        %get3A_266 = tpu.vector_load %arg6[%get3A_265] {strides = array<i32>} : memref<16384xi32, #tpu.memory_space<vmem>>, vector<16xi32>,
        %gather3A_267 = tpu.vector_load_idx %arg5[%get3A_266] : memref<100000xf32, #tpu.memory_space<vmem>>[vector<16xi32>], vector<16xf32>,
        %mul3A_268 = arith.constant 16 : i32
        %mul3A_269 = arith.muli %scan3A_260, %mul3A_268 : i32
        %swap3A_270 = arith.index_cast %mul3A_269 : i32 to index
        %swap3A_271 = tpu.vector_load %arg7[%swap3A_270] {strides = array<i32>} : memref<4096xf32, #tpu.memory_space<vmem>>, vector<16xf32>,
        tpu.vector_store %arg7[%swap3A_270], %gather3A_267 {strides = array<i32>} : memref<4096xf32, #tpu.memory_space<vmem>>, vector<16xf32>,
        %scan3A_272 = arith.constant 12 : i32
        %scan3A_273 = arith.addi %scan3A_120, %scan3A_272 : i32
        %mul3A_274 = arith.constant 16 : i32
        %mul3A_275 = arith.muli %scan3A_273, %mul3A_274 : i32
        %add3A_276 = arith.constant 8192 : i32
        %add3A_277 = arith.addi %add3A_276, %mul3A_275 : i32
        %get3A_278 = arith.index_cast %add3A_277 : i32 to index
        %get3A_279 = tpu.vector_load %arg6[%get3A_278] {strides = array<i32>} : memref<16384xi32, #tpu.memory_space<vmem>>, vector<16xi32>,
        %gather3A_280 = tpu.vector_load_idx %arg5[%get3A_279] : memref<100000xf32, #tpu.memory_space<vmem>>[vector<16xi32>], vector<16xf32>,
        %mul3A_281 = arith.constant 16 : i32
        %mul3A_282 = arith.muli %scan3A_273, %mul3A_281 : i32
        %swap3A_283 = arith.index_cast %mul3A_282 : i32 to index
        %swap3A_284 = tpu.vector_load %arg7[%swap3A_283] {strides = array<i32>} : memref<4096xf32, #tpu.memory_space<vmem>>, vector<16xf32>,
        tpu.vector_store %arg7[%swap3A_283], %gather3A_280 {strides = array<i32>} : memref<4096xf32, #tpu.memory_space<vmem>>, vector<16xf32>,
        %scan3A_285 = arith.constant 13 : i32
        %scan3A_286 = arith.addi %scan3A_120, %scan3A_285 : i32
        %mul3A_287 = arith.constant 16 : i32
        %mul3A_288 = arith.muli %scan3A_286, %mul3A_287 : i32
        %add3A_289 = arith.constant 8192 : i32
        %add3A_290 = arith.addi %add3A_289, %mul3A_288 : i32
        %get3A_291 = arith.index_cast %add3A_290 : i32 to index
        %get3A_292 = tpu.vector_load %arg6[%get3A_291] {strides = array<i32>} : memref<16384xi32, #tpu.memory_space<vmem>>, vector<16xi32>,
        %gather3A_293 = tpu.vector_load_idx %arg5[%get3A_292] : memref<100000xf32, #tpu.memory_space<vmem>>[vector<16xi32>], vector<16xf32>,
        %mul3A_294 = arith.constant 16 : i32
        %mul3A_295 = arith.muli %scan3A_286, %mul3A_294 : i32
        %swap3A_296 = arith.index_cast %mul3A_295 : i32 to index
        %swap3A_297 = tpu.vector_load %arg7[%swap3A_296] {strides = array<i32>} : memref<4096xf32, #tpu.memory_space<vmem>>, vector<16xf32>,
        tpu.vector_store %arg7[%swap3A_296], %gather3A_293 {strides = array<i32>} : memref<4096xf32, #tpu.memory_space<vmem>>, vector<16xf32>,
        %scan3A_298 = arith.constant 14 : i32
        %scan3A_299 = arith.addi %scan3A_120, %scan3A_298 : i32
        %mul3A_300 = arith.constant 16 : i32
        %mul3A_301 = arith.muli %scan3A_299, %mul3A_300 : i32
        %add3A_302 = arith.constant 8192 : i32
        %add3A_303 = arith.addi %add3A_302, %mul3A_301 : i32
        %get3A_304 = arith.index_cast %add3A_303 : i32 to index
        %get3A_305 = tpu.vector_load %arg6[%get3A_304] {strides = array<i32>} : memref<16384xi32, #tpu.memory_space<vmem>>, vector<16xi32>,
        %gather3A_306 = tpu.vector_load_idx %arg5[%get3A_305] : memref<100000xf32, #tpu.memory_space<vmem>>[vector<16xi32>], vector<16xf32>,
        %mul3A_307 = arith.constant 16 : i32
        %mul3A_308 = arith.muli %scan3A_299, %mul3A_307 : i32
        %swap3A_309 = arith.index_cast %mul3A_308 : i32 to index
        %swap3A_310 = tpu.vector_load %arg7[%swap3A_309] {strides = array<i32>} : memref<4096xf32, #tpu.memory_space<vmem>>, vector<16xf32>,
        tpu.vector_store %arg7[%swap3A_309], %gather3A_306 {strides = array<i32>} : memref<4096xf32, #tpu.memory_space<vmem>>, vector<16xf32>,
        %scan3A_311 = arith.constant 15 : i32
        %scan3A_312 = arith.addi %scan3A_120, %scan3A_311 : i32
        %mul3A_313 = arith.constant 16 : i32
        %mul3A_314 = arith.muli %scan3A_312, %mul3A_313 : i32
        %add3A_315 = arith.constant 8192 : i32
        %add3A_316 = arith.addi %add3A_315, %mul3A_314 : i32
        %get3A_317 = arith.index_cast %add3A_316 : i32 to index
        %get3A_318 = tpu.vector_load %arg6[%get3A_317] {strides = array<i32>} : memref<16384xi32, #tpu.memory_space<vmem>>, vector<16xi32>,
        %gather3A_319 = tpu.vector_load_idx %arg5[%get3A_318] : memref<100000xf32, #tpu.memory_space<vmem>>[vector<16xi32>], vector<16xf32>,
        %mul3A_320 = arith.constant 16 : i32
        %mul3A_321 = arith.muli %scan3A_312, %mul3A_320 : i32
        %swap3A_322 = arith.index_cast %mul3A_321 : i32 to index
        %swap3A_323 = tpu.vector_load %arg7[%swap3A_322] {strides = array<i32>} : memref<4096xf32, #tpu.memory_space<vmem>>, vector<16xf32>,
        tpu.vector_store %arg7[%swap3A_322], %gather3A_319 {strides = array<i32>} : memref<4096xf32, #tpu.memory_space<vmem>>, vector<16xf32>,
        %scan3A_324 = arith.constant 16 : i32
        %scan3A_325 = arith.addi %scan3A_120, %scan3A_324 : i32
        %mul3A_326 = arith.constant 16 : i32
        %mul3A_327 = arith.muli %scan3A_325, %mul3A_326 : i32
        %add3A_328 = arith.constant 8192 : i32
        %add3A_329 = arith.addi %add3A_328, %mul3A_327 : i32
        %get3A_330 = arith.index_cast %add3A_329 : i32 to index
        %get3A_331 = tpu.vector_load %arg6[%get3A_330] {strides = array<i32>} : memref<16384xi32, #tpu.memory_space<vmem>>, vector<16xi32>,
        %gather3A_332 = tpu.vector_load_idx %arg5[%get3A_331] : memref<100000xf32, #tpu.memory_space<vmem>>[vector<16xi32>], vector<16xf32>,
        %mul3A_333 = arith.constant 16 : i32
        %mul3A_334 = arith.muli %scan3A_325, %mul3A_333 : i32
        %swap3A_335 = arith.index_cast %mul3A_334 : i32 to index
        %swap3A_336 = tpu.vector_load %arg7[%swap3A_335] {strides = array<i32>} : memref<4096xf32, #tpu.memory_space<vmem>>, vector<16xf32>,
        tpu.vector_store %arg7[%swap3A_335], %gather3A_332 {strides = array<i32>} : memref<4096xf32, #tpu.memory_space<vmem>>, vector<16xf32>,
        %scan3A_337 = arith.constant 17 : i32
        %scan3A_338 = arith.addi %scan3A_120, %scan3A_337 : i32
        %mul3A_339 = arith.constant 16 : i32
        %mul3A_340 = arith.muli %scan3A_338, %mul3A_339 : i32
        %add3A_341 = arith.constant 8192 : i32
        %add3A_342 = arith.addi %add3A_341, %mul3A_340 : i32
        %get3A_343 = arith.index_cast %add3A_342 : i32 to index
        %get3A_344 = tpu.vector_load %arg6[%get3A_343] {strides = array<i32>} : memref<16384xi32, #tpu.memory_space<vmem>>, vector<16xi32>,
        %gather3A_345 = tpu.vector_load_idx %arg5[%get3A_344] : memref<100000xf32, #tpu.memory_space<vmem>>[vector<16xi32>], vector<16xf32>,
        %mul3A_346 = arith.constant 16 : i32
        %mul3A_347 = arith.muli %scan3A_338, %mul3A_346 : i32
        %swap3A_348 = arith.index_cast %mul3A_347 : i32 to index
        %swap3A_349 = tpu.vector_load %arg7[%swap3A_348] {strides = array<i32>} : memref<4096xf32, #tpu.memory_space<vmem>>, vector<16xf32>,
        tpu.vector_store %arg7[%swap3A_348], %gather3A_345 {strides = array<i32>} : memref<4096xf32, #tpu.memory_space<vmem>>, vector<16xf32>,
        %scan3A_350 = arith.constant 18 : i32
        %scan3A_351 = arith.addi %scan3A_120, %scan3A_350 : i32
        %mul3A_352 = arith.constant 16 : i32
        %mul3A_353 = arith.muli %scan3A_351, %mul3A_352 : i32
        %add3A_354 = arith.constant 8192 : i32
        %add3A_355 = arith.addi %add3A_354, %mul3A_353 : i32
        %get3A_356 = arith.index_cast %add3A_355 : i32 to index
        %get3A_357 = tpu.vector_load %arg6[%get3A_356] {strides = array<i32>} : memref<16384xi32, #tpu.memory_space<vmem>>, vector<16xi32>,
        %gather3A_358 = tpu.vector_load_idx %arg5[%get3A_357] : memref<100000xf32, #tpu.memory_space<vmem>>[vector<16xi32>], vector<16xf32>,
        %mul3A_359 = arith.constant 16 : i32
        %mul3A_360 = arith.muli %scan3A_351, %mul3A_359 : i32
        %swap3A_361 = arith.index_cast %mul3A_360 : i32 to index
        %swap3A_362 = tpu.vector_load %arg7[%swap3A_361] {strides = array<i32>} : memref<4096xf32, #tpu.memory_space<vmem>>, vector<16xf32>,
        tpu.vector_store %arg7[%swap3A_361], %gather3A_358 {strides = array<i32>} : memref<4096xf32, #tpu.memory_space<vmem>>, vector<16xf32>,
        %scan3A_363 = arith.constant 19 : i32
        %scan3A_364 = arith.addi %scan3A_120, %scan3A_363 : i32
        %mul3A_365 = arith.constant 16 : i32
        %mul3A_366 = arith.muli %scan3A_364, %mul3A_365 : i32
        %add3A_367 = arith.constant 8192 : i32
        %add3A_368 = arith.addi %add3A_367, %mul3A_366 : i32
        %get3A_369 = arith.index_cast %add3A_368 : i32 to index
        %get3A_370 = tpu.vector_load %arg6[%get3A_369] {strides = array<i32>} : memref<16384xi32, #tpu.memory_space<vmem>>, vector<16xi32>,
        %gather3A_371 = tpu.vector_load_idx %arg5[%get3A_370] : memref<100000xf32, #tpu.memory_space<vmem>>[vector<16xi32>], vector<16xf32>,
        %mul3A_372 = arith.constant 16 : i32
        %mul3A_373 = arith.muli %scan3A_364, %mul3A_372 : i32
        %swap3A_374 = arith.index_cast %mul3A_373 : i32 to index
        %swap3A_375 = tpu.vector_load %arg7[%swap3A_374] {strides = array<i32>} : memref<4096xf32, #tpu.memory_space<vmem>>, vector<16xf32>,
        tpu.vector_store %arg7[%swap3A_374], %gather3A_371 {strides = array<i32>} : memref<4096xf32, #tpu.memory_space<vmem>>, vector<16xf32>,
        %scan3A_376 = arith.constant 20 : i32
        %scan3A_377 = arith.addi %scan3A_120, %scan3A_376 : i32
        %mul3A_378 = arith.constant 16 : i32
        %mul3A_379 = arith.muli %scan3A_377, %mul3A_378 : i32
        %add3A_380 = arith.constant 8192 : i32
        %add3A_381 = arith.addi %add3A_380, %mul3A_379 : i32
        %get3A_382 = arith.index_cast %add3A_381 : i32 to index
        %get3A_383 = tpu.vector_load %arg6[%get3A_382] {strides = array<i32>} : memref<16384xi32, #tpu.memory_space<vmem>>, vector<16xi32>,
        %gather3A_384 = tpu.vector_load_idx %arg5[%get3A_383] : memref<100000xf32, #tpu.memory_space<vmem>>[vector<16xi32>], vector<16xf32>,
        %mul3A_385 = arith.constant 16 : i32
        %mul3A_386 = arith.muli %scan3A_377, %mul3A_385 : i32
        %swap3A_387 = arith.index_cast %mul3A_386 : i32 to index
        %swap3A_388 = tpu.vector_load %arg7[%swap3A_387] {strides = array<i32>} : memref<4096xf32, #tpu.memory_space<vmem>>, vector<16xf32>,
        tpu.vector_store %arg7[%swap3A_387], %gather3A_384 {strides = array<i32>} : memref<4096xf32, #tpu.memory_space<vmem>>, vector<16xf32>,
        %scan3A_389 = arith.constant 21 : i32
        %scan3A_390 = arith.addi %scan3A_120, %scan3A_389 : i32
        %mul3A_391 = arith.constant 16 : i32
        %mul3A_392 = arith.muli %scan3A_390, %mul3A_391 : i32
        %add3A_393 = arith.constant 8192 : i32
        %add3A_394 = arith.addi %add3A_393, %mul3A_392 : i32
        %get3A_395 = arith.index_cast %add3A_394 : i32 to index
        %get3A_396 = tpu.vector_load %arg6[%get3A_395] {strides = array<i32>} : memref<16384xi32, #tpu.memory_space<vmem>>, vector<16xi32>,
        %gather3A_397 = tpu.vector_load_idx %arg5[%get3A_396] : memref<100000xf32, #tpu.memory_space<vmem>>[vector<16xi32>], vector<16xf32>,
        %mul3A_398 = arith.constant 16 : i32
        %mul3A_399 = arith.muli %scan3A_390, %mul3A_398 : i32
        %swap3A_400 = arith.index_cast %mul3A_399 : i32 to index
        %swap3A_401 = tpu.vector_load %arg7[%swap3A_400] {strides = array<i32>} : memref<4096xf32, #tpu.memory_space<vmem>>, vector<16xf32>,
        tpu.vector_store %arg7[%swap3A_400], %gather3A_397 {strides = array<i32>} : memref<4096xf32, #tpu.memory_space<vmem>>, vector<16xf32>,
        %scan3A_402 = arith.constant 22 : i32
        %scan3A_403 = arith.addi %scan3A_120, %scan3A_402 : i32
        %mul3A_404 = arith.constant 16 : i32
        %mul3A_405 = arith.muli %scan3A_403, %mul3A_404 : i32
        %add3A_406 = arith.constant 8192 : i32
        %add3A_407 = arith.addi %add3A_406, %mul3A_405 : i32
        %get3A_408 = arith.index_cast %add3A_407 : i32 to index
        %get3A_409 = tpu.vector_load %arg6[%get3A_408] {strides = array<i32>} : memref<16384xi32, #tpu.memory_space<vmem>>, vector<16xi32>,
        %gather3A_410 = tpu.vector_load_idx %arg5[%get3A_409] : memref<100000xf32, #tpu.memory_space<vmem>>[vector<16xi32>], vector<16xf32>,
        %mul3A_411 = arith.constant 16 : i32
        %mul3A_412 = arith.muli %scan3A_403, %mul3A_411 : i32
        %swap3A_413 = arith.index_cast %mul3A_412 : i32 to index
        %swap3A_414 = tpu.vector_load %arg7[%swap3A_413] {strides = array<i32>} : memref<4096xf32, #tpu.memory_space<vmem>>, vector<16xf32>,
        tpu.vector_store %arg7[%swap3A_413], %gather3A_410 {strides = array<i32>} : memref<4096xf32, #tpu.memory_space<vmem>>, vector<16xf32>,
        %scan3A_415 = arith.constant 23 : i32
        %scan3A_416 = arith.addi %scan3A_120, %scan3A_415 : i32
        %mul3A_417 = arith.constant 16 : i32
        %mul3A_418 = arith.muli %scan3A_416, %mul3A_417 : i32
        %add3A_419 = arith.constant 8192 : i32
        %add3A_420 = arith.addi %add3A_419, %mul3A_418 : i32
        %get3A_421 = arith.index_cast %add3A_420 : i32 to index
        %get3A_422 = tpu.vector_load %arg6[%get3A_421] {strides = array<i32>} : memref<16384xi32, #tpu.memory_space<vmem>>, vector<16xi32>,
        %gather3A_423 = tpu.vector_load_idx %arg5[%get3A_422] : memref<100000xf32, #tpu.memory_space<vmem>>[vector<16xi32>], vector<16xf32>,
        %mul3A_424 = arith.constant 16 : i32
        %mul3A_425 = arith.muli %scan3A_416, %mul3A_424 : i32
        %swap3A_426 = arith.index_cast %mul3A_425 : i32 to index
        %swap3A_427 = tpu.vector_load %arg7[%swap3A_426] {strides = array<i32>} : memref<4096xf32, #tpu.memory_space<vmem>>, vector<16xf32>,
        tpu.vector_store %arg7[%swap3A_426], %gather3A_423 {strides = array<i32>} : memref<4096xf32, #tpu.memory_space<vmem>>, vector<16xf32>,
        %scan3A_428 = arith.constant 24 : i32
        %scan3A_429 = arith.addi %scan3A_120, %scan3A_428 : i32
        %mul3A_430 = arith.constant 16 : i32
        %mul3A_431 = arith.muli %scan3A_429, %mul3A_430 : i32
        %add3A_432 = arith.constant 8192 : i32
        %add3A_433 = arith.addi %add3A_432, %mul3A_431 : i32
        %get3A_434 = arith.index_cast %add3A_433 : i32 to index
        %get3A_435 = tpu.vector_load %arg6[%get3A_434] {strides = array<i32>} : memref<16384xi32, #tpu.memory_space<vmem>>, vector<16xi32>,
        %gather3A_436 = tpu.vector_load_idx %arg5[%get3A_435] : memref<100000xf32, #tpu.memory_space<vmem>>[vector<16xi32>], vector<16xf32>,
        %mul3A_437 = arith.constant 16 : i32
        %mul3A_438 = arith.muli %scan3A_429, %mul3A_437 : i32
        %swap3A_439 = arith.index_cast %mul3A_438 : i32 to index
        %swap3A_440 = tpu.vector_load %arg7[%swap3A_439] {strides = array<i32>} : memref<4096xf32, #tpu.memory_space<vmem>>, vector<16xf32>,
        tpu.vector_store %arg7[%swap3A_439], %gather3A_436 {strides = array<i32>} : memref<4096xf32, #tpu.memory_space<vmem>>, vector<16xf32>,
        %scan3A_441 = arith.constant 25 : i32
        %scan3A_442 = arith.addi %scan3A_120, %scan3A_441 : i32
        %mul3A_443 = arith.constant 16 : i32
        %mul3A_444 = arith.muli %scan3A_442, %mul3A_443 : i32
        %add3A_445 = arith.constant 8192 : i32
        %add3A_446 = arith.addi %add3A_445, %mul3A_444 : i32
        %get3A_447 = arith.index_cast %add3A_446 : i32 to index
        %get3A_448 = tpu.vector_load %arg6[%get3A_447] {strides = array<i32>} : memref<16384xi32, #tpu.memory_space<vmem>>, vector<16xi32>,
        %gather3A_449 = tpu.vector_load_idx %arg5[%get3A_448] : memref<100000xf32, #tpu.memory_space<vmem>>[vector<16xi32>], vector<16xf32>,
        %mul3A_450 = arith.constant 16 : i32
        %mul3A_451 = arith.muli %scan3A_442, %mul3A_450 : i32
        %swap3A_452 = arith.index_cast %mul3A_451 : i32 to index
        %swap3A_453 = tpu.vector_load %arg7[%swap3A_452] {strides = array<i32>} : memref<4096xf32, #tpu.memory_space<vmem>>, vector<16xf32>,
        tpu.vector_store %arg7[%swap3A_452], %gather3A_449 {strides = array<i32>} : memref<4096xf32, #tpu.memory_space<vmem>>, vector<16xf32>,
        %scan3A_454 = arith.constant 26 : i32
        %scan3A_455 = arith.addi %scan3A_120, %scan3A_454 : i32
        %mul3A_456 = arith.constant 16 : i32
        %mul3A_457 = arith.muli %scan3A_455, %mul3A_456 : i32
        %add3A_458 = arith.constant 8192 : i32
        %add3A_459 = arith.addi %add3A_458, %mul3A_457 : i32
        %get3A_460 = arith.index_cast %add3A_459 : i32 to index
        %get3A_461 = tpu.vector_load %arg6[%get3A_460] {strides = array<i32>} : memref<16384xi32, #tpu.memory_space<vmem>>, vector<16xi32>,
        %gather3A_462 = tpu.vector_load_idx %arg5[%get3A_461] : memref<100000xf32, #tpu.memory_space<vmem>>[vector<16xi32>], vector<16xf32>,
        %mul3A_463 = arith.constant 16 : i32
        %mul3A_464 = arith.muli %scan3A_455, %mul3A_463 : i32
        %swap3A_465 = arith.index_cast %mul3A_464 : i32 to index
        %swap3A_466 = tpu.vector_load %arg7[%swap3A_465] {strides = array<i32>} : memref<4096xf32, #tpu.memory_space<vmem>>, vector<16xf32>,
        tpu.vector_store %arg7[%swap3A_465], %gather3A_462 {strides = array<i32>} : memref<4096xf32, #tpu.memory_space<vmem>>, vector<16xf32>,
        %scan3A_467 = arith.constant 27 : i32
        %scan3A_468 = arith.addi %scan3A_120, %scan3A_467 : i32
        %mul3A_469 = arith.constant 16 : i32
        %mul3A_470 = arith.muli %scan3A_468, %mul3A_469 : i32
        %add3A_471 = arith.constant 8192 : i32
        %add3A_472 = arith.addi %add3A_471, %mul3A_470 : i32
        %get3A_473 = arith.index_cast %add3A_472 : i32 to index
        %get3A_474 = tpu.vector_load %arg6[%get3A_473] {strides = array<i32>} : memref<16384xi32, #tpu.memory_space<vmem>>, vector<16xi32>,
        %gather3A_475 = tpu.vector_load_idx %arg5[%get3A_474] : memref<100000xf32, #tpu.memory_space<vmem>>[vector<16xi32>], vector<16xf32>,
        %mul3A_476 = arith.constant 16 : i32
        %mul3A_477 = arith.muli %scan3A_468, %mul3A_476 : i32
        %swap3A_478 = arith.index_cast %mul3A_477 : i32 to index
        %swap3A_479 = tpu.vector_load %arg7[%swap3A_478] {strides = array<i32>} : memref<4096xf32, #tpu.memory_space<vmem>>, vector<16xf32>,
        tpu.vector_store %arg7[%swap3A_478], %gather3A_475 {strides = array<i32>} : memref<4096xf32, #tpu.memory_space<vmem>>, vector<16xf32>,
        %scan3A_480 = arith.constant 28 : i32
        %scan3A_481 = arith.addi %scan3A_120, %scan3A_480 : i32
        %mul3A_482 = arith.constant 16 : i32
        %mul3A_483 = arith.muli %scan3A_481, %mul3A_482 : i32
        %add3A_484 = arith.constant 8192 : i32
        %add3A_485 = arith.addi %add3A_484, %mul3A_483 : i32
        %get3A_486 = arith.index_cast %add3A_485 : i32 to index
        %get3A_487 = tpu.vector_load %arg6[%get3A_486] {strides = array<i32>} : memref<16384xi32, #tpu.memory_space<vmem>>, vector<16xi32>,
        %gather3A_488 = tpu.vector_load_idx %arg5[%get3A_487] : memref<100000xf32, #tpu.memory_space<vmem>>[vector<16xi32>], vector<16xf32>,
        %mul3A_489 = arith.constant 16 : i32
        %mul3A_490 = arith.muli %scan3A_481, %mul3A_489 : i32
        %swap3A_491 = arith.index_cast %mul3A_490 : i32 to index
        %swap3A_492 = tpu.vector_load %arg7[%swap3A_491] {strides = array<i32>} : memref<4096xf32, #tpu.memory_space<vmem>>, vector<16xf32>,
        tpu.vector_store %arg7[%swap3A_491], %gather3A_488 {strides = array<i32>} : memref<4096xf32, #tpu.memory_space<vmem>>, vector<16xf32>,
        %scan3A_493 = arith.constant 29 : i32
        %scan3A_494 = arith.addi %scan3A_120, %scan3A_493 : i32
        %mul3A_495 = arith.constant 16 : i32
        %mul3A_496 = arith.muli %scan3A_494, %mul3A_495 : i32
        %add3A_497 = arith.constant 8192 : i32
        %add3A_498 = arith.addi %add3A_497, %mul3A_496 : i32
        %get3A_499 = arith.index_cast %add3A_498 : i32 to index
        %get3A_500 = tpu.vector_load %arg6[%get3A_499] {strides = array<i32>} : memref<16384xi32, #tpu.memory_space<vmem>>, vector<16xi32>,
        %gather3A_501 = tpu.vector_load_idx %arg5[%get3A_500] : memref<100000xf32, #tpu.memory_space<vmem>>[vector<16xi32>], vector<16xf32>,
        %mul3A_502 = arith.constant 16 : i32
        %mul3A_503 = arith.muli %scan3A_494, %mul3A_502 : i32
        %swap3A_504 = arith.index_cast %mul3A_503 : i32 to index
        %swap3A_505 = tpu.vector_load %arg7[%swap3A_504] {strides = array<i32>} : memref<4096xf32, #tpu.memory_space<vmem>>, vector<16xf32>,
        tpu.vector_store %arg7[%swap3A_504], %gather3A_501 {strides = array<i32>} : memref<4096xf32, #tpu.memory_space<vmem>>, vector<16xf32>,
        %scan3A_506 = arith.constant 30 : i32
        %scan3A_507 = arith.addi %scan3A_120, %scan3A_506 : i32
        %mul3A_508 = arith.constant 16 : i32
        %mul3A_509 = arith.muli %scan3A_507, %mul3A_508 : i32
        %add3A_510 = arith.constant 8192 : i32
        %add3A_511 = arith.addi %add3A_510, %mul3A_509 : i32
        %get3A_512 = arith.index_cast %add3A_511 : i32 to index
        %get3A_513 = tpu.vector_load %arg6[%get3A_512] {strides = array<i32>} : memref<16384xi32, #tpu.memory_space<vmem>>, vector<16xi32>,
        %gather3A_514 = tpu.vector_load_idx %arg5[%get3A_513] : memref<100000xf32, #tpu.memory_space<vmem>>[vector<16xi32>], vector<16xf32>,
        %mul3A_515 = arith.constant 16 : i32
        %mul3A_516 = arith.muli %scan3A_507, %mul3A_515 : i32
        %swap3A_517 = arith.index_cast %mul3A_516 : i32 to index
        %swap3A_518 = tpu.vector_load %arg7[%swap3A_517] {strides = array<i32>} : memref<4096xf32, #tpu.memory_space<vmem>>, vector<16xf32>,
        tpu.vector_store %arg7[%swap3A_517], %gather3A_514 {strides = array<i32>} : memref<4096xf32, #tpu.memory_space<vmem>>, vector<16xf32>,
        %scan3A_519 = arith.constant 31 : i32
        %scan3A_520 = arith.addi %scan3A_120, %scan3A_519 : i32
        %mul3A_521 = arith.constant 16 : i32
        %mul3A_522 = arith.muli %scan3A_520, %mul3A_521 : i32
        %add3A_523 = arith.constant 8192 : i32
        %add3A_524 = arith.addi %add3A_523, %mul3A_522 : i32
        %get3A_525 = arith.index_cast %add3A_524 : i32 to index
        %get3A_526 = tpu.vector_load %arg6[%get3A_525] {strides = array<i32>} : memref<16384xi32, #tpu.memory_space<vmem>>, vector<16xi32>,
        %gather3A_527 = tpu.vector_load_idx %arg5[%get3A_526] : memref<100000xf32, #tpu.memory_space<vmem>>[vector<16xi32>], vector<16xf32>,
        %mul3A_528 = arith.constant 16 : i32
        %mul3A_529 = arith.muli %scan3A_520, %mul3A_528 : i32
        %swap3A_530 = arith.index_cast %mul3A_529 : i32 to index
        %swap3A_531 = tpu.vector_load %arg7[%swap3A_530] {strides = array<i32>} : memref<4096xf32, #tpu.memory_space<vmem>>, vector<16xf32>,
        tpu.vector_store %arg7[%swap3A_530], %gather3A_527 {strides = array<i32>} : memref<4096xf32, #tpu.memory_space<vmem>>, vector<16xf32>,
      }
      %scan3A_94 = arith.constant 256 : i32
      %dma_start3A_95 = arith.constant 8192 : i32
      %dma_start3A_96 = tpu.memref_slice %arg4[%add3A_22, %dma_start3A_95] : memref<832x16384xf32, #tpu.memory_space<hbm>> -> memref<1x4096xf32, #tpu.memory_space<hbm>>
      %dma_start3A_97 = tpu.memref_squeeze %dma_start3A_96 : memref<1x4096xf32, #tpu.memory_space<hbm>> -> memref<4096xf32, #tpu.memory_space<hbm>>
      %dma_start3A_98 = arith.constant 8192 : i32
      %dma_start3A_99 = tpu.memref_slice %arg4[%add3A_22, %dma_start3A_98] : memref<832x16384xf32, #tpu.memory_space<hbm>> -> memref<1x4096xf32, #tpu.memory_space<hbm>>
      %dma_start3A_100 = tpu.memref_squeeze %dma_start3A_99 : memref<1x4096xf32, #tpu.memory_space<hbm>> -> memref<4096xf32, #tpu.memory_space<hbm>>
      tpu.enqueue_dma source(%arg7 : memref<4096xf32, #tpu.memory_space<vmem>>) target(%dma_start3A_100 : memref<4096xf32, #tpu.memory_space<hbm>>) target_semaphore(%arg10 : memref<!tpu.dma_semaphore, #tpu.memory_space<semaphore_mem>>)
      %dma_wait3A_101 = arith.constant 0 : i32
      %dma_wait3A_102 = arith.constant 0 : i32
      %dma_wait3A_103 = tpu.memref_slice %arg4[%dma_wait3A_101, %dma_wait3A_102] : memref<832x16384xf32, #tpu.memory_space<hbm>> -> memref<1x4096xf32, #tpu.memory_space<hbm>>
      %dma_wait3A_104 = tpu.memref_squeeze %dma_wait3A_103 : memref<1x4096xf32, #tpu.memory_space<hbm>> -> memref<4096xf32, #tpu.memory_space<hbm>>
      %dma_wait3A_105 = arith.constant 0 : i32
      %dma_wait3A_106 = tpu.memref_slice %arg4[%dma_wait3A_101, %dma_wait3A_105] : memref<832x16384xf32, #tpu.memory_space<hbm>> -> memref<1x4096xf32, #tpu.memory_space<hbm>>
      %dma_wait3A_107 = tpu.memref_squeeze %dma_wait3A_106 : memref<1x4096xf32, #tpu.memory_space<hbm>> -> memref<4096xf32, #tpu.memory_space<hbm>>
      tpu.wait_dma2 semaphore(%arg11 : memref<!tpu.dma_semaphore, #tpu.memory_space<semaphore_mem>>) src(%arg8 : memref<4096xf32, #tpu.memory_space<vmem>>) dst(%dma_wait3A_107 : memref<4096xf32, #tpu.memory_space<hbm>>)
      %scan3A_108 = arith.constant 0 : i32
      %scan3A_109 = arith.constant 0 : i32
      %scan3A_110 = arith.constant 256 : i32
      %scan3A_111 = arith.addi %scan3A_109, %scan3A_110 : i32
      %scan3A_112 = arith.constant 32 : i32
      scf.for %scan3A_120 = %scan3A_109 to %scan3A_111 step %scan3A_112  : i32 {
        %mul3A_121 = arith.constant 16 : i32
        %mul3A_122 = arith.muli %scan3A_120, %mul3A_121 : i32
        %add3A_123 = arith.constant 12288 : i32
        %add3A_124 = arith.addi %add3A_123, %mul3A_122 : i32
        %get3A = arith.index_cast %add3A_124 : i32 to index
        %get3A_125 = tpu.vector_load %arg6[%get3A] {strides = array<i32>} : memref<16384xi32, #tpu.memory_space<vmem>>, vector<16xi32>,
        %gather3A = tpu.vector_load_idx %arg5[%get3A_125] : memref<100000xf32, #tpu.memory_space<vmem>>[vector<16xi32>], vector<16xf32>,
        %mul3A_126 = arith.constant 16 : i32
        %mul3A_127 = arith.muli %scan3A_120, %mul3A_126 : i32
        %swap3A = arith.index_cast %mul3A_127 : i32 to index
        %swap3A_128 = tpu.vector_load %arg8[%swap3A] {strides = array<i32>} : memref<4096xf32, #tpu.memory_space<vmem>>, vector<16xf32>,
        tpu.vector_store %arg8[%swap3A], %gather3A {strides = array<i32>} : memref<4096xf32, #tpu.memory_space<vmem>>, vector<16xf32>,
        %scan3A_129 = arith.constant 1 : i32
        %scan3A_130 = arith.addi %scan3A_120, %scan3A_129 : i32
        %mul3A_131 = arith.constant 16 : i32
        %mul3A_132 = arith.muli %scan3A_130, %mul3A_131 : i32
        %add3A_133 = arith.constant 12288 : i32
        %add3A_134 = arith.addi %add3A_133, %mul3A_132 : i32
        %get3A_135 = arith.index_cast %add3A_134 : i32 to index
        %get3A_136 = tpu.vector_load %arg6[%get3A_135] {strides = array<i32>} : memref<16384xi32, #tpu.memory_space<vmem>>, vector<16xi32>,
        %gather3A_137 = tpu.vector_load_idx %arg5[%get3A_136] : memref<100000xf32, #tpu.memory_space<vmem>>[vector<16xi32>], vector<16xf32>,
        %mul3A_138 = arith.constant 16 : i32
        %mul3A_139 = arith.muli %scan3A_130, %mul3A_138 : i32
        %swap3A_140 = arith.index_cast %mul3A_139 : i32 to index
        %swap3A_141 = tpu.vector_load %arg8[%swap3A_140] {strides = array<i32>} : memref<4096xf32, #tpu.memory_space<vmem>>, vector<16xf32>,
        tpu.vector_store %arg8[%swap3A_140], %gather3A_137 {strides = array<i32>} : memref<4096xf32, #tpu.memory_space<vmem>>, vector<16xf32>,
        %scan3A_142 = arith.constant 2 : i32
        %scan3A_143 = arith.addi %scan3A_120, %scan3A_142 : i32
        %mul3A_144 = arith.constant 16 : i32
        %mul3A_145 = arith.muli %scan3A_143, %mul3A_144 : i32
        %add3A_146 = arith.constant 12288 : i32
        %add3A_147 = arith.addi %add3A_146, %mul3A_145 : i32
        %get3A_148 = arith.index_cast %add3A_147 : i32 to index
        %get3A_149 = tpu.vector_load %arg6[%get3A_148] {strides = array<i32>} : memref<16384xi32, #tpu.memory_space<vmem>>, vector<16xi32>,
        %gather3A_150 = tpu.vector_load_idx %arg5[%get3A_149] : memref<100000xf32, #tpu.memory_space<vmem>>[vector<16xi32>], vector<16xf32>,
        %mul3A_151 = arith.constant 16 : i32
        %mul3A_152 = arith.muli %scan3A_143, %mul3A_151 : i32
        %swap3A_153 = arith.index_cast %mul3A_152 : i32 to index
        %swap3A_154 = tpu.vector_load %arg8[%swap3A_153] {strides = array<i32>} : memref<4096xf32, #tpu.memory_space<vmem>>, vector<16xf32>,
        tpu.vector_store %arg8[%swap3A_153], %gather3A_150 {strides = array<i32>} : memref<4096xf32, #tpu.memory_space<vmem>>, vector<16xf32>,
        %scan3A_155 = arith.constant 3 : i32
        %scan3A_156 = arith.addi %scan3A_120, %scan3A_155 : i32
        %mul3A_157 = arith.constant 16 : i32
        %mul3A_158 = arith.muli %scan3A_156, %mul3A_157 : i32
        %add3A_159 = arith.constant 12288 : i32
        %add3A_160 = arith.addi %add3A_159, %mul3A_158 : i32
        %get3A_161 = arith.index_cast %add3A_160 : i32 to index
        %get3A_162 = tpu.vector_load %arg6[%get3A_161] {strides = array<i32>} : memref<16384xi32, #tpu.memory_space<vmem>>, vector<16xi32>,
        %gather3A_163 = tpu.vector_load_idx %arg5[%get3A_162] : memref<100000xf32, #tpu.memory_space<vmem>>[vector<16xi32>], vector<16xf32>,
        %mul3A_164 = arith.constant 16 : i32
        %mul3A_165 = arith.muli %scan3A_156, %mul3A_164 : i32
        %swap3A_166 = arith.index_cast %mul3A_165 : i32 to index
        %swap3A_167 = tpu.vector_load %arg8[%swap3A_166] {strides = array<i32>} : memref<4096xf32, #tpu.memory_space<vmem>>, vector<16xf32>,
        tpu.vector_store %arg8[%swap3A_166], %gather3A_163 {strides = array<i32>} : memref<4096xf32, #tpu.memory_space<vmem>>, vector<16xf32>,
        %scan3A_168 = arith.constant 4 : i32
        %scan3A_169 = arith.addi %scan3A_120, %scan3A_168 : i32
        %mul3A_170 = arith.constant 16 : i32
        %mul3A_171 = arith.muli %scan3A_169, %mul3A_170 : i32
        %add3A_172 = arith.constant 12288 : i32
        %add3A_173 = arith.addi %add3A_172, %mul3A_171 : i32
        %get3A_174 = arith.index_cast %add3A_173 : i32 to index
        %get3A_175 = tpu.vector_load %arg6[%get3A_174] {strides = array<i32>} : memref<16384xi32, #tpu.memory_space<vmem>>, vector<16xi32>,
        %gather3A_176 = tpu.vector_load_idx %arg5[%get3A_175] : memref<100000xf32, #tpu.memory_space<vmem>>[vector<16xi32>], vector<16xf32>,
        %mul3A_177 = arith.constant 16 : i32
        %mul3A_178 = arith.muli %scan3A_169, %mul3A_177 : i32
        %swap3A_179 = arith.index_cast %mul3A_178 : i32 to index
        %swap3A_180 = tpu.vector_load %arg8[%swap3A_179] {strides = array<i32>} : memref<4096xf32, #tpu.memory_space<vmem>>, vector<16xf32>,
        tpu.vector_store %arg8[%swap3A_179], %gather3A_176 {strides = array<i32>} : memref<4096xf32, #tpu.memory_space<vmem>>, vector<16xf32>,
        %scan3A_181 = arith.constant 5 : i32
        %scan3A_182 = arith.addi %scan3A_120, %scan3A_181 : i32
        %mul3A_183 = arith.constant 16 : i32
        %mul3A_184 = arith.muli %scan3A_182, %mul3A_183 : i32
        %add3A_185 = arith.constant 12288 : i32
        %add3A_186 = arith.addi %add3A_185, %mul3A_184 : i32
        %get3A_187 = arith.index_cast %add3A_186 : i32 to index
        %get3A_188 = tpu.vector_load %arg6[%get3A_187] {strides = array<i32>} : memref<16384xi32, #tpu.memory_space<vmem>>, vector<16xi32>,
        %gather3A_189 = tpu.vector_load_idx %arg5[%get3A_188] : memref<100000xf32, #tpu.memory_space<vmem>>[vector<16xi32>], vector<16xf32>,
        %mul3A_190 = arith.constant 16 : i32
        %mul3A_191 = arith.muli %scan3A_182, %mul3A_190 : i32
        %swap3A_192 = arith.index_cast %mul3A_191 : i32 to index
        %swap3A_193 = tpu.vector_load %arg8[%swap3A_192] {strides = array<i32>} : memref<4096xf32, #tpu.memory_space<vmem>>, vector<16xf32>,
        tpu.vector_store %arg8[%swap3A_192], %gather3A_189 {strides = array<i32>} : memref<4096xf32, #tpu.memory_space<vmem>>, vector<16xf32>,
        %scan3A_194 = arith.constant 6 : i32
        %scan3A_195 = arith.addi %scan3A_120, %scan3A_194 : i32
        %mul3A_196 = arith.constant 16 : i32
        %mul3A_197 = arith.muli %scan3A_195, %mul3A_196 : i32
        %add3A_198 = arith.constant 12288 : i32
        %add3A_199 = arith.addi %add3A_198, %mul3A_197 : i32
        %get3A_200 = arith.index_cast %add3A_199 : i32 to index
        %get3A_201 = tpu.vector_load %arg6[%get3A_200] {strides = array<i32>} : memref<16384xi32, #tpu.memory_space<vmem>>, vector<16xi32>,
        %gather3A_202 = tpu.vector_load_idx %arg5[%get3A_201] : memref<100000xf32, #tpu.memory_space<vmem>>[vector<16xi32>], vector<16xf32>,
        %mul3A_203 = arith.constant 16 : i32
        %mul3A_204 = arith.muli %scan3A_195, %mul3A_203 : i32
        %swap3A_205 = arith.index_cast %mul3A_204 : i32 to index
        %swap3A_206 = tpu.vector_load %arg8[%swap3A_205] {strides = array<i32>} : memref<4096xf32, #tpu.memory_space<vmem>>, vector<16xf32>,
        tpu.vector_store %arg8[%swap3A_205], %gather3A_202 {strides = array<i32>} : memref<4096xf32, #tpu.memory_space<vmem>>, vector<16xf32>,
        %scan3A_207 = arith.constant 7 : i32
        %scan3A_208 = arith.addi %scan3A_120, %scan3A_207 : i32
        %mul3A_209 = arith.constant 16 : i32
        %mul3A_210 = arith.muli %scan3A_208, %mul3A_209 : i32
        %add3A_211 = arith.constant 12288 : i32
        %add3A_212 = arith.addi %add3A_211, %mul3A_210 : i32
        %get3A_213 = arith.index_cast %add3A_212 : i32 to index
        %get3A_214 = tpu.vector_load %arg6[%get3A_213] {strides = array<i32>} : memref<16384xi32, #tpu.memory_space<vmem>>, vector<16xi32>,
        %gather3A_215 = tpu.vector_load_idx %arg5[%get3A_214] : memref<100000xf32, #tpu.memory_space<vmem>>[vector<16xi32>], vector<16xf32>,
        %mul3A_216 = arith.constant 16 : i32
        %mul3A_217 = arith.muli %scan3A_208, %mul3A_216 : i32
        %swap3A_218 = arith.index_cast %mul3A_217 : i32 to index
        %swap3A_219 = tpu.vector_load %arg8[%swap3A_218] {strides = array<i32>} : memref<4096xf32, #tpu.memory_space<vmem>>, vector<16xf32>,
        tpu.vector_store %arg8[%swap3A_218], %gather3A_215 {strides = array<i32>} : memref<4096xf32, #tpu.memory_space<vmem>>, vector<16xf32>,
        %scan3A_220 = arith.constant 8 : i32
        %scan3A_221 = arith.addi %scan3A_120, %scan3A_220 : i32
        %mul3A_222 = arith.constant 16 : i32
        %mul3A_223 = arith.muli %scan3A_221, %mul3A_222 : i32
        %add3A_224 = arith.constant 12288 : i32
        %add3A_225 = arith.addi %add3A_224, %mul3A_223 : i32
        %get3A_226 = arith.index_cast %add3A_225 : i32 to index
        %get3A_227 = tpu.vector_load %arg6[%get3A_226] {strides = array<i32>} : memref<16384xi32, #tpu.memory_space<vmem>>, vector<16xi32>,
        %gather3A_228 = tpu.vector_load_idx %arg5[%get3A_227] : memref<100000xf32, #tpu.memory_space<vmem>>[vector<16xi32>], vector<16xf32>,
        %mul3A_229 = arith.constant 16 : i32
        %mul3A_230 = arith.muli %scan3A_221, %mul3A_229 : i32
        %swap3A_231 = arith.index_cast %mul3A_230 : i32 to index
        %swap3A_232 = tpu.vector_load %arg8[%swap3A_231] {strides = array<i32>} : memref<4096xf32, #tpu.memory_space<vmem>>, vector<16xf32>,
        tpu.vector_store %arg8[%swap3A_231], %gather3A_228 {strides = array<i32>} : memref<4096xf32, #tpu.memory_space<vmem>>, vector<16xf32>,
        %scan3A_233 = arith.constant 9 : i32
        %scan3A_234 = arith.addi %scan3A_120, %scan3A_233 : i32
        %mul3A_235 = arith.constant 16 : i32
        %mul3A_236 = arith.muli %scan3A_234, %mul3A_235 : i32
        %add3A_237 = arith.constant 12288 : i32
        %add3A_238 = arith.addi %add3A_237, %mul3A_236 : i32
        %get3A_239 = arith.index_cast %add3A_238 : i32 to index
        %get3A_240 = tpu.vector_load %arg6[%get3A_239] {strides = array<i32>} : memref<16384xi32, #tpu.memory_space<vmem>>, vector<16xi32>,
        %gather3A_241 = tpu.vector_load_idx %arg5[%get3A_240] : memref<100000xf32, #tpu.memory_space<vmem>>[vector<16xi32>], vector<16xf32>,
        %mul3A_242 = arith.constant 16 : i32
        %mul3A_243 = arith.muli %scan3A_234, %mul3A_242 : i32
        %swap3A_244 = arith.index_cast %mul3A_243 : i32 to index
        %swap3A_245 = tpu.vector_load %arg8[%swap3A_244] {strides = array<i32>} : memref<4096xf32, #tpu.memory_space<vmem>>, vector<16xf32>,
        tpu.vector_store %arg8[%swap3A_244], %gather3A_241 {strides = array<i32>} : memref<4096xf32, #tpu.memory_space<vmem>>, vector<16xf32>,
        %scan3A_246 = arith.constant 10 : i32
        %scan3A_247 = arith.addi %scan3A_120, %scan3A_246 : i32
        %mul3A_248 = arith.constant 16 : i32
        %mul3A_249 = arith.muli %scan3A_247, %mul3A_248 : i32
        %add3A_250 = arith.constant 12288 : i32
        %add3A_251 = arith.addi %add3A_250, %mul3A_249 : i32
        %get3A_252 = arith.index_cast %add3A_251 : i32 to index
        %get3A_253 = tpu.vector_load %arg6[%get3A_252] {strides = array<i32>} : memref<16384xi32, #tpu.memory_space<vmem>>, vector<16xi32>,
        %gather3A_254 = tpu.vector_load_idx %arg5[%get3A_253] : memref<100000xf32, #tpu.memory_space<vmem>>[vector<16xi32>], vector<16xf32>,
        %mul3A_255 = arith.constant 16 : i32
        %mul3A_256 = arith.muli %scan3A_247, %mul3A_255 : i32
        %swap3A_257 = arith.index_cast %mul3A_256 : i32 to index
        %swap3A_258 = tpu.vector_load %arg8[%swap3A_257] {strides = array<i32>} : memref<4096xf32, #tpu.memory_space<vmem>>, vector<16xf32>,
        tpu.vector_store %arg8[%swap3A_257], %gather3A_254 {strides = array<i32>} : memref<4096xf32, #tpu.memory_space<vmem>>, vector<16xf32>,
        %scan3A_259 = arith.constant 11 : i32
        %scan3A_260 = arith.addi %scan3A_120, %scan3A_259 : i32
        %mul3A_261 = arith.constant 16 : i32
        %mul3A_262 = arith.muli %scan3A_260, %mul3A_261 : i32
        %add3A_263 = arith.constant 12288 : i32
        %add3A_264 = arith.addi %add3A_263, %mul3A_262 : i32
        %get3A_265 = arith.index_cast %add3A_264 : i32 to index
        %get3A_266 = tpu.vector_load %arg6[%get3A_265] {strides = array<i32>} : memref<16384xi32, #tpu.memory_space<vmem>>, vector<16xi32>,
        %gather3A_267 = tpu.vector_load_idx %arg5[%get3A_266] : memref<100000xf32, #tpu.memory_space<vmem>>[vector<16xi32>], vector<16xf32>,
        %mul3A_268 = arith.constant 16 : i32
        %mul3A_269 = arith.muli %scan3A_260, %mul3A_268 : i32
        %swap3A_270 = arith.index_cast %mul3A_269 : i32 to index
        %swap3A_271 = tpu.vector_load %arg8[%swap3A_270] {strides = array<i32>} : memref<4096xf32, #tpu.memory_space<vmem>>, vector<16xf32>,
        tpu.vector_store %arg8[%swap3A_270], %gather3A_267 {strides = array<i32>} : memref<4096xf32, #tpu.memory_space<vmem>>, vector<16xf32>,
        %scan3A_272 = arith.constant 12 : i32
        %scan3A_273 = arith.addi %scan3A_120, %scan3A_272 : i32
        %mul3A_274 = arith.constant 16 : i32
        %mul3A_275 = arith.muli %scan3A_273, %mul3A_274 : i32
        %add3A_276 = arith.constant 12288 : i32
        %add3A_277 = arith.addi %add3A_276, %mul3A_275 : i32
        %get3A_278 = arith.index_cast %add3A_277 : i32 to index
        %get3A_279 = tpu.vector_load %arg6[%get3A_278] {strides = array<i32>} : memref<16384xi32, #tpu.memory_space<vmem>>, vector<16xi32>,
        %gather3A_280 = tpu.vector_load_idx %arg5[%get3A_279] : memref<100000xf32, #tpu.memory_space<vmem>>[vector<16xi32>], vector<16xf32>,
        %mul3A_281 = arith.constant 16 : i32
        %mul3A_282 = arith.muli %scan3A_273, %mul3A_281 : i32
        %swap3A_283 = arith.index_cast %mul3A_282 : i32 to index
        %swap3A_284 = tpu.vector_load %arg8[%swap3A_283] {strides = array<i32>} : memref<4096xf32, #tpu.memory_space<vmem>>, vector<16xf32>,
        tpu.vector_store %arg8[%swap3A_283], %gather3A_280 {strides = array<i32>} : memref<4096xf32, #tpu.memory_space<vmem>>, vector<16xf32>,
        %scan3A_285 = arith.constant 13 : i32
        %scan3A_286 = arith.addi %scan3A_120, %scan3A_285 : i32
        %mul3A_287 = arith.constant 16 : i32
        %mul3A_288 = arith.muli %scan3A_286, %mul3A_287 : i32
        %add3A_289 = arith.constant 12288 : i32
        %add3A_290 = arith.addi %add3A_289, %mul3A_288 : i32
        %get3A_291 = arith.index_cast %add3A_290 : i32 to index
        %get3A_292 = tpu.vector_load %arg6[%get3A_291] {strides = array<i32>} : memref<16384xi32, #tpu.memory_space<vmem>>, vector<16xi32>,
        %gather3A_293 = tpu.vector_load_idx %arg5[%get3A_292] : memref<100000xf32, #tpu.memory_space<vmem>>[vector<16xi32>], vector<16xf32>,
        %mul3A_294 = arith.constant 16 : i32
        %mul3A_295 = arith.muli %scan3A_286, %mul3A_294 : i32
        %swap3A_296 = arith.index_cast %mul3A_295 : i32 to index
        %swap3A_297 = tpu.vector_load %arg8[%swap3A_296] {strides = array<i32>} : memref<4096xf32, #tpu.memory_space<vmem>>, vector<16xf32>,
        tpu.vector_store %arg8[%swap3A_296], %gather3A_293 {strides = array<i32>} : memref<4096xf32, #tpu.memory_space<vmem>>, vector<16xf32>,
        %scan3A_298 = arith.constant 14 : i32
        %scan3A_299 = arith.addi %scan3A_120, %scan3A_298 : i32
        %mul3A_300 = arith.constant 16 : i32
        %mul3A_301 = arith.muli %scan3A_299, %mul3A_300 : i32
        %add3A_302 = arith.constant 12288 : i32
        %add3A_303 = arith.addi %add3A_302, %mul3A_301 : i32
        %get3A_304 = arith.index_cast %add3A_303 : i32 to index
        %get3A_305 = tpu.vector_load %arg6[%get3A_304] {strides = array<i32>} : memref<16384xi32, #tpu.memory_space<vmem>>, vector<16xi32>,
        %gather3A_306 = tpu.vector_load_idx %arg5[%get3A_305] : memref<100000xf32, #tpu.memory_space<vmem>>[vector<16xi32>], vector<16xf32>,
        %mul3A_307 = arith.constant 16 : i32
        %mul3A_308 = arith.muli %scan3A_299, %mul3A_307 : i32
        %swap3A_309 = arith.index_cast %mul3A_308 : i32 to index
        %swap3A_310 = tpu.vector_load %arg8[%swap3A_309] {strides = array<i32>} : memref<4096xf32, #tpu.memory_space<vmem>>, vector<16xf32>,
        tpu.vector_store %arg8[%swap3A_309], %gather3A_306 {strides = array<i32>} : memref<4096xf32, #tpu.memory_space<vmem>>, vector<16xf32>,
        %scan3A_311 = arith.constant 15 : i32
        %scan3A_312 = arith.addi %scan3A_120, %scan3A_311 : i32
        %mul3A_313 = arith.constant 16 : i32
        %mul3A_314 = arith.muli %scan3A_312, %mul3A_313 : i32
        %add3A_315 = arith.constant 12288 : i32
        %add3A_316 = arith.addi %add3A_315, %mul3A_314 : i32
        %get3A_317 = arith.index_cast %add3A_316 : i32 to index
        %get3A_318 = tpu.vector_load %arg6[%get3A_317] {strides = array<i32>} : memref<16384xi32, #tpu.memory_space<vmem>>, vector<16xi32>,
        %gather3A_319 = tpu.vector_load_idx %arg5[%get3A_318] : memref<100000xf32, #tpu.memory_space<vmem>>[vector<16xi32>], vector<16xf32>,
        %mul3A_320 = arith.constant 16 : i32
        %mul3A_321 = arith.muli %scan3A_312, %mul3A_320 : i32
        %swap3A_322 = arith.index_cast %mul3A_321 : i32 to index
        %swap3A_323 = tpu.vector_load %arg8[%swap3A_322] {strides = array<i32>} : memref<4096xf32, #tpu.memory_space<vmem>>, vector<16xf32>,
        tpu.vector_store %arg8[%swap3A_322], %gather3A_319 {strides = array<i32>} : memref<4096xf32, #tpu.memory_space<vmem>>, vector<16xf32>,
        %scan3A_324 = arith.constant 16 : i32
        %scan3A_325 = arith.addi %scan3A_120, %scan3A_324 : i32
        %mul3A_326 = arith.constant 16 : i32
        %mul3A_327 = arith.muli %scan3A_325, %mul3A_326 : i32
        %add3A_328 = arith.constant 12288 : i32
        %add3A_329 = arith.addi %add3A_328, %mul3A_327 : i32
        %get3A_330 = arith.index_cast %add3A_329 : i32 to index
        %get3A_331 = tpu.vector_load %arg6[%get3A_330] {strides = array<i32>} : memref<16384xi32, #tpu.memory_space<vmem>>, vector<16xi32>,
        %gather3A_332 = tpu.vector_load_idx %arg5[%get3A_331] : memref<100000xf32, #tpu.memory_space<vmem>>[vector<16xi32>], vector<16xf32>,
        %mul3A_333 = arith.constant 16 : i32
        %mul3A_334 = arith.muli %scan3A_325, %mul3A_333 : i32
        %swap3A_335 = arith.index_cast %mul3A_334 : i32 to index
        %swap3A_336 = tpu.vector_load %arg8[%swap3A_335] {strides = array<i32>} : memref<4096xf32, #tpu.memory_space<vmem>>, vector<16xf32>,
        tpu.vector_store %arg8[%swap3A_335], %gather3A_332 {strides = array<i32>} : memref<4096xf32, #tpu.memory_space<vmem>>, vector<16xf32>,
        %scan3A_337 = arith.constant 17 : i32
        %scan3A_338 = arith.addi %scan3A_120, %scan3A_337 : i32
        %mul3A_339 = arith.constant 16 : i32
        %mul3A_340 = arith.muli %scan3A_338, %mul3A_339 : i32
        %add3A_341 = arith.constant 12288 : i32
        %add3A_342 = arith.addi %add3A_341, %mul3A_340 : i32
        %get3A_343 = arith.index_cast %add3A_342 : i32 to index
        %get3A_344 = tpu.vector_load %arg6[%get3A_343] {strides = array<i32>} : memref<16384xi32, #tpu.memory_space<vmem>>, vector<16xi32>,
        %gather3A_345 = tpu.vector_load_idx %arg5[%get3A_344] : memref<100000xf32, #tpu.memory_space<vmem>>[vector<16xi32>], vector<16xf32>,
        %mul3A_346 = arith.constant 16 : i32
        %mul3A_347 = arith.muli %scan3A_338, %mul3A_346 : i32
        %swap3A_348 = arith.index_cast %mul3A_347 : i32 to index
        %swap3A_349 = tpu.vector_load %arg8[%swap3A_348] {strides = array<i32>} : memref<4096xf32, #tpu.memory_space<vmem>>, vector<16xf32>,
        tpu.vector_store %arg8[%swap3A_348], %gather3A_345 {strides = array<i32>} : memref<4096xf32, #tpu.memory_space<vmem>>, vector<16xf32>,
        %scan3A_350 = arith.constant 18 : i32
        %scan3A_351 = arith.addi %scan3A_120, %scan3A_350 : i32
        %mul3A_352 = arith.constant 16 : i32
        %mul3A_353 = arith.muli %scan3A_351, %mul3A_352 : i32
        %add3A_354 = arith.constant 12288 : i32
        %add3A_355 = arith.addi %add3A_354, %mul3A_353 : i32
        %get3A_356 = arith.index_cast %add3A_355 : i32 to index
        %get3A_357 = tpu.vector_load %arg6[%get3A_356] {strides = array<i32>} : memref<16384xi32, #tpu.memory_space<vmem>>, vector<16xi32>,
        %gather3A_358 = tpu.vector_load_idx %arg5[%get3A_357] : memref<100000xf32, #tpu.memory_space<vmem>>[vector<16xi32>], vector<16xf32>,
        %mul3A_359 = arith.constant 16 : i32
        %mul3A_360 = arith.muli %scan3A_351, %mul3A_359 : i32
        %swap3A_361 = arith.index_cast %mul3A_360 : i32 to index
        %swap3A_362 = tpu.vector_load %arg8[%swap3A_361] {strides = array<i32>} : memref<4096xf32, #tpu.memory_space<vmem>>, vector<16xf32>,
        tpu.vector_store %arg8[%swap3A_361], %gather3A_358 {strides = array<i32>} : memref<4096xf32, #tpu.memory_space<vmem>>, vector<16xf32>,
        %scan3A_363 = arith.constant 19 : i32
        %scan3A_364 = arith.addi %scan3A_120, %scan3A_363 : i32
        %mul3A_365 = arith.constant 16 : i32
        %mul3A_366 = arith.muli %scan3A_364, %mul3A_365 : i32
        %add3A_367 = arith.constant 12288 : i32
        %add3A_368 = arith.addi %add3A_367, %mul3A_366 : i32
        %get3A_369 = arith.index_cast %add3A_368 : i32 to index
        %get3A_370 = tpu.vector_load %arg6[%get3A_369] {strides = array<i32>} : memref<16384xi32, #tpu.memory_space<vmem>>, vector<16xi32>,
        %gather3A_371 = tpu.vector_load_idx %arg5[%get3A_370] : memref<100000xf32, #tpu.memory_space<vmem>>[vector<16xi32>], vector<16xf32>,
        %mul3A_372 = arith.constant 16 : i32
        %mul3A_373 = arith.muli %scan3A_364, %mul3A_372 : i32
        %swap3A_374 = arith.index_cast %mul3A_373 : i32 to index
        %swap3A_375 = tpu.vector_load %arg8[%swap3A_374] {strides = array<i32>} : memref<4096xf32, #tpu.memory_space<vmem>>, vector<16xf32>,
        tpu.vector_store %arg8[%swap3A_374], %gather3A_371 {strides = array<i32>} : memref<4096xf32, #tpu.memory_space<vmem>>, vector<16xf32>,
        %scan3A_376 = arith.constant 20 : i32
        %scan3A_377 = arith.addi %scan3A_120, %scan3A_376 : i32
        %mul3A_378 = arith.constant 16 : i32
        %mul3A_379 = arith.muli %scan3A_377, %mul3A_378 : i32
        %add3A_380 = arith.constant 12288 : i32
        %add3A_381 = arith.addi %add3A_380, %mul3A_379 : i32
        %get3A_382 = arith.index_cast %add3A_381 : i32 to index
        %get3A_383 = tpu.vector_load %arg6[%get3A_382] {strides = array<i32>} : memref<16384xi32, #tpu.memory_space<vmem>>, vector<16xi32>,
        %gather3A_384 = tpu.vector_load_idx %arg5[%get3A_383] : memref<100000xf32, #tpu.memory_space<vmem>>[vector<16xi32>], vector<16xf32>,
        %mul3A_385 = arith.constant 16 : i32
        %mul3A_386 = arith.muli %scan3A_377, %mul3A_385 : i32
        %swap3A_387 = arith.index_cast %mul3A_386 : i32 to index
        %swap3A_388 = tpu.vector_load %arg8[%swap3A_387] {strides = array<i32>} : memref<4096xf32, #tpu.memory_space<vmem>>, vector<16xf32>,
        tpu.vector_store %arg8[%swap3A_387], %gather3A_384 {strides = array<i32>} : memref<4096xf32, #tpu.memory_space<vmem>>, vector<16xf32>,
        %scan3A_389 = arith.constant 21 : i32
        %scan3A_390 = arith.addi %scan3A_120, %scan3A_389 : i32
        %mul3A_391 = arith.constant 16 : i32
        %mul3A_392 = arith.muli %scan3A_390, %mul3A_391 : i32
        %add3A_393 = arith.constant 12288 : i32
        %add3A_394 = arith.addi %add3A_393, %mul3A_392 : i32
        %get3A_395 = arith.index_cast %add3A_394 : i32 to index
        %get3A_396 = tpu.vector_load %arg6[%get3A_395] {strides = array<i32>} : memref<16384xi32, #tpu.memory_space<vmem>>, vector<16xi32>,
        %gather3A_397 = tpu.vector_load_idx %arg5[%get3A_396] : memref<100000xf32, #tpu.memory_space<vmem>>[vector<16xi32>], vector<16xf32>,
        %mul3A_398 = arith.constant 16 : i32
        %mul3A_399 = arith.muli %scan3A_390, %mul3A_398 : i32
        %swap3A_400 = arith.index_cast %mul3A_399 : i32 to index
        %swap3A_401 = tpu.vector_load %arg8[%swap3A_400] {strides = array<i32>} : memref<4096xf32, #tpu.memory_space<vmem>>, vector<16xf32>,
        tpu.vector_store %arg8[%swap3A_400], %gather3A_397 {strides = array<i32>} : memref<4096xf32, #tpu.memory_space<vmem>>, vector<16xf32>,
        %scan3A_402 = arith.constant 22 : i32
        %scan3A_403 = arith.addi %scan3A_120, %scan3A_402 : i32
        %mul3A_404 = arith.constant 16 : i32
        %mul3A_405 = arith.muli %scan3A_403, %mul3A_404 : i32
        %add3A_406 = arith.constant 12288 : i32
        %add3A_407 = arith.addi %add3A_406, %mul3A_405 : i32
        %get3A_408 = arith.index_cast %add3A_407 : i32 to index
        %get3A_409 = tpu.vector_load %arg6[%get3A_408] {strides = array<i32>} : memref<16384xi32, #tpu.memory_space<vmem>>, vector<16xi32>,
        %gather3A_410 = tpu.vector_load_idx %arg5[%get3A_409] : memref<100000xf32, #tpu.memory_space<vmem>>[vector<16xi32>], vector<16xf32>,
        %mul3A_411 = arith.constant 16 : i32
        %mul3A_412 = arith.muli %scan3A_403, %mul3A_411 : i32
        %swap3A_413 = arith.index_cast %mul3A_412 : i32 to index
        %swap3A_414 = tpu.vector_load %arg8[%swap3A_413] {strides = array<i32>} : memref<4096xf32, #tpu.memory_space<vmem>>, vector<16xf32>,
        tpu.vector_store %arg8[%swap3A_413], %gather3A_410 {strides = array<i32>} : memref<4096xf32, #tpu.memory_space<vmem>>, vector<16xf32>,
        %scan3A_415 = arith.constant 23 : i32
        %scan3A_416 = arith.addi %scan3A_120, %scan3A_415 : i32
        %mul3A_417 = arith.constant 16 : i32
        %mul3A_418 = arith.muli %scan3A_416, %mul3A_417 : i32
        %add3A_419 = arith.constant 12288 : i32
        %add3A_420 = arith.addi %add3A_419, %mul3A_418 : i32
        %get3A_421 = arith.index_cast %add3A_420 : i32 to index
        %get3A_422 = tpu.vector_load %arg6[%get3A_421] {strides = array<i32>} : memref<16384xi32, #tpu.memory_space<vmem>>, vector<16xi32>,
        %gather3A_423 = tpu.vector_load_idx %arg5[%get3A_422] : memref<100000xf32, #tpu.memory_space<vmem>>[vector<16xi32>], vector<16xf32>,
        %mul3A_424 = arith.constant 16 : i32
        %mul3A_425 = arith.muli %scan3A_416, %mul3A_424 : i32
        %swap3A_426 = arith.index_cast %mul3A_425 : i32 to index
        %swap3A_427 = tpu.vector_load %arg8[%swap3A_426] {strides = array<i32>} : memref<4096xf32, #tpu.memory_space<vmem>>, vector<16xf32>,
        tpu.vector_store %arg8[%swap3A_426], %gather3A_423 {strides = array<i32>} : memref<4096xf32, #tpu.memory_space<vmem>>, vector<16xf32>,
        %scan3A_428 = arith.constant 24 : i32
        %scan3A_429 = arith.addi %scan3A_120, %scan3A_428 : i32
        %mul3A_430 = arith.constant 16 : i32
        %mul3A_431 = arith.muli %scan3A_429, %mul3A_430 : i32
        %add3A_432 = arith.constant 12288 : i32
        %add3A_433 = arith.addi %add3A_432, %mul3A_431 : i32
        %get3A_434 = arith.index_cast %add3A_433 : i32 to index
        %get3A_435 = tpu.vector_load %arg6[%get3A_434] {strides = array<i32>} : memref<16384xi32, #tpu.memory_space<vmem>>, vector<16xi32>,
        %gather3A_436 = tpu.vector_load_idx %arg5[%get3A_435] : memref<100000xf32, #tpu.memory_space<vmem>>[vector<16xi32>], vector<16xf32>,
        %mul3A_437 = arith.constant 16 : i32
        %mul3A_438 = arith.muli %scan3A_429, %mul3A_437 : i32
        %swap3A_439 = arith.index_cast %mul3A_438 : i32 to index
        %swap3A_440 = tpu.vector_load %arg8[%swap3A_439] {strides = array<i32>} : memref<4096xf32, #tpu.memory_space<vmem>>, vector<16xf32>,
        tpu.vector_store %arg8[%swap3A_439], %gather3A_436 {strides = array<i32>} : memref<4096xf32, #tpu.memory_space<vmem>>, vector<16xf32>,
        %scan3A_441 = arith.constant 25 : i32
        %scan3A_442 = arith.addi %scan3A_120, %scan3A_441 : i32
        %mul3A_443 = arith.constant 16 : i32
        %mul3A_444 = arith.muli %scan3A_442, %mul3A_443 : i32
        %add3A_445 = arith.constant 12288 : i32
        %add3A_446 = arith.addi %add3A_445, %mul3A_444 : i32
        %get3A_447 = arith.index_cast %add3A_446 : i32 to index
        %get3A_448 = tpu.vector_load %arg6[%get3A_447] {strides = array<i32>} : memref<16384xi32, #tpu.memory_space<vmem>>, vector<16xi32>,
        %gather3A_449 = tpu.vector_load_idx %arg5[%get3A_448] : memref<100000xf32, #tpu.memory_space<vmem>>[vector<16xi32>], vector<16xf32>,
        %mul3A_450 = arith.constant 16 : i32
        %mul3A_451 = arith.muli %scan3A_442, %mul3A_450 : i32
        %swap3A_452 = arith.index_cast %mul3A_451 : i32 to index
        %swap3A_453 = tpu.vector_load %arg8[%swap3A_452] {strides = array<i32>} : memref<4096xf32, #tpu.memory_space<vmem>>, vector<16xf32>,
        tpu.vector_store %arg8[%swap3A_452], %gather3A_449 {strides = array<i32>} : memref<4096xf32, #tpu.memory_space<vmem>>, vector<16xf32>,
        %scan3A_454 = arith.constant 26 : i32
        %scan3A_455 = arith.addi %scan3A_120, %scan3A_454 : i32
        %mul3A_456 = arith.constant 16 : i32
        %mul3A_457 = arith.muli %scan3A_455, %mul3A_456 : i32
        %add3A_458 = arith.constant 12288 : i32
        %add3A_459 = arith.addi %add3A_458, %mul3A_457 : i32
        %get3A_460 = arith.index_cast %add3A_459 : i32 to index
        %get3A_461 = tpu.vector_load %arg6[%get3A_460] {strides = array<i32>} : memref<16384xi32, #tpu.memory_space<vmem>>, vector<16xi32>,
        %gather3A_462 = tpu.vector_load_idx %arg5[%get3A_461] : memref<100000xf32, #tpu.memory_space<vmem>>[vector<16xi32>], vector<16xf32>,
        %mul3A_463 = arith.constant 16 : i32
        %mul3A_464 = arith.muli %scan3A_455, %mul3A_463 : i32
        %swap3A_465 = arith.index_cast %mul3A_464 : i32 to index
        %swap3A_466 = tpu.vector_load %arg8[%swap3A_465] {strides = array<i32>} : memref<4096xf32, #tpu.memory_space<vmem>>, vector<16xf32>,
        tpu.vector_store %arg8[%swap3A_465], %gather3A_462 {strides = array<i32>} : memref<4096xf32, #tpu.memory_space<vmem>>, vector<16xf32>,
        %scan3A_467 = arith.constant 27 : i32
        %scan3A_468 = arith.addi %scan3A_120, %scan3A_467 : i32
        %mul3A_469 = arith.constant 16 : i32
        %mul3A_470 = arith.muli %scan3A_468, %mul3A_469 : i32
        %add3A_471 = arith.constant 12288 : i32
        %add3A_472 = arith.addi %add3A_471, %mul3A_470 : i32
        %get3A_473 = arith.index_cast %add3A_472 : i32 to index
        %get3A_474 = tpu.vector_load %arg6[%get3A_473] {strides = array<i32>} : memref<16384xi32, #tpu.memory_space<vmem>>, vector<16xi32>,
        %gather3A_475 = tpu.vector_load_idx %arg5[%get3A_474] : memref<100000xf32, #tpu.memory_space<vmem>>[vector<16xi32>], vector<16xf32>,
        %mul3A_476 = arith.constant 16 : i32
        %mul3A_477 = arith.muli %scan3A_468, %mul3A_476 : i32
        %swap3A_478 = arith.index_cast %mul3A_477 : i32 to index
        %swap3A_479 = tpu.vector_load %arg8[%swap3A_478] {strides = array<i32>} : memref<4096xf32, #tpu.memory_space<vmem>>, vector<16xf32>,
        tpu.vector_store %arg8[%swap3A_478], %gather3A_475 {strides = array<i32>} : memref<4096xf32, #tpu.memory_space<vmem>>, vector<16xf32>,
        %scan3A_480 = arith.constant 28 : i32
        %scan3A_481 = arith.addi %scan3A_120, %scan3A_480 : i32
        %mul3A_482 = arith.constant 16 : i32
        %mul3A_483 = arith.muli %scan3A_481, %mul3A_482 : i32
        %add3A_484 = arith.constant 12288 : i32
        %add3A_485 = arith.addi %add3A_484, %mul3A_483 : i32
        %get3A_486 = arith.index_cast %add3A_485 : i32 to index
        %get3A_487 = tpu.vector_load %arg6[%get3A_486] {strides = array<i32>} : memref<16384xi32, #tpu.memory_space<vmem>>, vector<16xi32>,
        %gather3A_488 = tpu.vector_load_idx %arg5[%get3A_487] : memref<100000xf32, #tpu.memory_space<vmem>>[vector<16xi32>], vector<16xf32>,
        %mul3A_489 = arith.constant 16 : i32
        %mul3A_490 = arith.muli %scan3A_481, %mul3A_489 : i32
        %swap3A_491 = arith.index_cast %mul3A_490 : i32 to index
        %swap3A_492 = tpu.vector_load %arg8[%swap3A_491] {strides = array<i32>} : memref<4096xf32, #tpu.memory_space<vmem>>, vector<16xf32>,
        tpu.vector_store %arg8[%swap3A_491], %gather3A_488 {strides = array<i32>} : memref<4096xf32, #tpu.memory_space<vmem>>, vector<16xf32>,
        %scan3A_493 = arith.constant 29 : i32
        %scan3A_494 = arith.addi %scan3A_120, %scan3A_493 : i32
        %mul3A_495 = arith.constant 16 : i32
        %mul3A_496 = arith.muli %scan3A_494, %mul3A_495 : i32
        %add3A_497 = arith.constant 12288 : i32
        %add3A_498 = arith.addi %add3A_497, %mul3A_496 : i32
        %get3A_499 = arith.index_cast %add3A_498 : i32 to index
        %get3A_500 = tpu.vector_load %arg6[%get3A_499] {strides = array<i32>} : memref<16384xi32, #tpu.memory_space<vmem>>, vector<16xi32>,
        %gather3A_501 = tpu.vector_load_idx %arg5[%get3A_500] : memref<100000xf32, #tpu.memory_space<vmem>>[vector<16xi32>], vector<16xf32>,
        %mul3A_502 = arith.constant 16 : i32
        %mul3A_503 = arith.muli %scan3A_494, %mul3A_502 : i32
        %swap3A_504 = arith.index_cast %mul3A_503 : i32 to index
        %swap3A_505 = tpu.vector_load %arg8[%swap3A_504] {strides = array<i32>} : memref<4096xf32, #tpu.memory_space<vmem>>, vector<16xf32>,
        tpu.vector_store %arg8[%swap3A_504], %gather3A_501 {strides = array<i32>} : memref<4096xf32, #tpu.memory_space<vmem>>, vector<16xf32>,
        %scan3A_506 = arith.constant 30 : i32
        %scan3A_507 = arith.addi %scan3A_120, %scan3A_506 : i32
        %mul3A_508 = arith.constant 16 : i32
        %mul3A_509 = arith.muli %scan3A_507, %mul3A_508 : i32
        %add3A_510 = arith.constant 12288 : i32
        %add3A_511 = arith.addi %add3A_510, %mul3A_509 : i32
        %get3A_512 = arith.index_cast %add3A_511 : i32 to index
        %get3A_513 = tpu.vector_load %arg6[%get3A_512] {strides = array<i32>} : memref<16384xi32, #tpu.memory_space<vmem>>, vector<16xi32>,
        %gather3A_514 = tpu.vector_load_idx %arg5[%get3A_513] : memref<100000xf32, #tpu.memory_space<vmem>>[vector<16xi32>], vector<16xf32>,
        %mul3A_515 = arith.constant 16 : i32
        %mul3A_516 = arith.muli %scan3A_507, %mul3A_515 : i32
        %swap3A_517 = arith.index_cast %mul3A_516 : i32 to index
        %swap3A_518 = tpu.vector_load %arg8[%swap3A_517] {strides = array<i32>} : memref<4096xf32, #tpu.memory_space<vmem>>, vector<16xf32>,
        tpu.vector_store %arg8[%swap3A_517], %gather3A_514 {strides = array<i32>} : memref<4096xf32, #tpu.memory_space<vmem>>, vector<16xf32>,
        %scan3A_519 = arith.constant 31 : i32
        %scan3A_520 = arith.addi %scan3A_120, %scan3A_519 : i32
        %mul3A_521 = arith.constant 16 : i32
        %mul3A_522 = arith.muli %scan3A_520, %mul3A_521 : i32
        %add3A_523 = arith.constant 12288 : i32
        %add3A_524 = arith.addi %add3A_523, %mul3A_522 : i32
        %get3A_525 = arith.index_cast %add3A_524 : i32 to index
        %get3A_526 = tpu.vector_load %arg6[%get3A_525] {strides = array<i32>} : memref<16384xi32, #tpu.memory_space<vmem>>, vector<16xi32>,
        %gather3A_527 = tpu.vector_load_idx %arg5[%get3A_526] : memref<100000xf32, #tpu.memory_space<vmem>>[vector<16xi32>], vector<16xf32>,
        %mul3A_528 = arith.constant 16 : i32
        %mul3A_529 = arith.muli %scan3A_520, %mul3A_528 : i32
        %swap3A_530 = arith.index_cast %mul3A_529 : i32 to index
        %swap3A_531 = tpu.vector_load %arg8[%swap3A_530] {strides = array<i32>} : memref<4096xf32, #tpu.memory_space<vmem>>, vector<16xf32>,
        tpu.vector_store %arg8[%swap3A_530], %gather3A_527 {strides = array<i32>} : memref<4096xf32, #tpu.memory_space<vmem>>, vector<16xf32>,
      }
      %scan3A_113 = arith.constant 256 : i32
      %dma_start3A_114 = arith.constant 12288 : i32
      %dma_start3A_115 = tpu.memref_slice %arg4[%add3A_22, %dma_start3A_114] : memref<832x16384xf32, #tpu.memory_space<hbm>> -> memref<1x4096xf32, #tpu.memory_space<hbm>>
      %dma_start3A_116 = tpu.memref_squeeze %dma_start3A_115 : memref<1x4096xf32, #tpu.memory_space<hbm>> -> memref<4096xf32, #tpu.memory_space<hbm>>
      %dma_start3A_117 = arith.constant 12288 : i32
      %dma_start3A_118 = tpu.memref_slice %arg4[%add3A_22, %dma_start3A_117] : memref<832x16384xf32, #tpu.memory_space<hbm>> -> memref<1x4096xf32, #tpu.memory_space<hbm>>
      %dma_start3A_119 = tpu.memref_squeeze %dma_start3A_118 : memref<1x4096xf32, #tpu.memory_space<hbm>> -> memref<4096xf32, #tpu.memory_space<hbm>>
      tpu.enqueue_dma source(%arg8 : memref<4096xf32, #tpu.memory_space<vmem>>) target(%dma_start3A_119 : memref<4096xf32, #tpu.memory_space<hbm>>) target_semaphore(%arg11 : memref<!tpu.dma_semaphore, #tpu.memory_space<semaphore_mem>>)
    }
    %scan3A_7 = arith.constant 26 : i32
    %dma_wait3A = arith.constant 0 : i32
    %dma_wait3A_8 = arith.constant 0 : i32
    %dma_wait3A_9 = tpu.memref_slice %arg4[%dma_wait3A, %dma_wait3A_8] : memref<832x16384xf32, #tpu.memory_space<hbm>> -> memref<1x4096xf32, #tpu.memory_space<hbm>>
    %dma_wait3A_10 = tpu.memref_squeeze %dma_wait3A_9 : memref<1x4096xf32, #tpu.memory_space<hbm>> -> memref<4096xf32, #tpu.memory_space<hbm>>
    %dma_wait3A_11 = arith.constant 0 : i32
    %dma_wait3A_12 = tpu.memref_slice %arg4[%dma_wait3A, %dma_wait3A_11] : memref<832x16384xf32, #tpu.memory_space<hbm>> -> memref<1x4096xf32, #tpu.memory_space<hbm>>
    %dma_wait3A_13 = tpu.memref_squeeze %dma_wait3A_12 : memref<1x4096xf32, #tpu.memory_space<hbm>> -> memref<4096xf32, #tpu.memory_space<hbm>>
    tpu.wait_dma2 semaphore(%arg10 : memref<!tpu.dma_semaphore, #tpu.memory_space<semaphore_mem>>) src(%arg7 : memref<4096xf32, #tpu.memory_space<vmem>>) dst(%dma_wait3A_13 : memref<4096xf32, #tpu.memory_space<hbm>>)
    %dma_wait3A_14 = arith.constant 0 : i32
    %dma_wait3A_15 = arith.constant 0 : i32
    %dma_wait3A_16 = tpu.memref_slice %arg4[%dma_wait3A_14, %dma_wait3A_15] : memref<832x16384xf32, #tpu.memory_space<hbm>> -> memref<1x4096xf32, #tpu.memory_space<hbm>>
    %dma_wait3A_17 = tpu.memref_squeeze %dma_wait3A_16 : memref<1x4096xf32, #tpu.memory_space<hbm>> -> memref<4096xf32, #tpu.memory_space<hbm>>
    %dma_wait3A_18 = arith.constant 0 : i32
    %dma_wait3A_19 = tpu.memref_slice %arg4[%dma_wait3A_14, %dma_wait3A_18] : memref<832x16384xf32, #tpu.memory_space<hbm>> -> memref<1x4096xf32, #tpu.memory_space<hbm>>
    %dma_wait3A_20 = tpu.memref_squeeze %dma_wait3A_19 : memref<1x4096xf32, #tpu.memory_space<hbm>> -> memref<4096xf32, #tpu.memory_space<hbm>>
    tpu.wait_dma2 semaphore(%arg11 : memref<!tpu.dma_semaphore, #tpu.memory_space<semaphore_mem>>) src(%arg8 : memref<4096xf32, #tpu.memory_space<vmem>>) dst(%dma_wait3A_20 : memref<4096xf32, #tpu.memory_space<hbm>>)
    return
  }
}

</mosaic_0001>

<sc_bundles>
// kernel: kernel.3.cloned.1.call-start
scs
__scs_entry_jumppad:
0x0: {  	(pc) =	sbr.rel $0x88, $3  }
0x1: {  	(tag) =	ssettag $0x0;
	lr =	simm.s32 $0x1  }
0x2: {  	[smem:$0x3F9F] =	sst lr;
	_ =	strace $0xD0000000  }
0x3: {  	_ = 	snop  }
0x4: {  	_ = 	snop  }
0x5: {  	_ = 	snop  }
0x6: {  	_ = 	snop  }
0x7: {  	_ = 	snop  }
__scs_overlays_trampoline_lowered:
0x8: {  	[smem:$0x3FAE] =	sst s0  }
0x9: {  	[smem:$0x3FAF] =	sst s1  }
0xa: {  	[smem:$0x3FB0] =	sst s2  }
0xb: {  	[smem:$0x3FB1] =	sst s3  }
0xc: {  	[smem:$0x3FB2] =	sst s4  }
0xd: {  	[smem:$0x3FB3] =	sst s5  }
0xe: {  	[smem:$0x3FB4] =	sst s6  }
0xf: {  	[smem:$0x3FB5] =	sst s7  }
0x10: {  	[smem:$0x3FB6] =	sst s8  }
0x11: {  	[smem:$0x3FB7] =	sst s9;
	s0 =	simm.s32 @!p0 $0x0  }
0x12: {  	s1 =	sld [smem:$0x3F9D];
	s0 =	simm.s32 @p0 $0x1  }
0x13: {  	[smem:$0x3FB8] =	sst s0;
	s0 =	simm.s32 @!p1 $0x0  }
0x14: {  	s2 =	sld [smem:$0x3F9C];
	s0 =	simm.s32 @p1 $0x1  }
0x15: {  	[smem:$0x3FB9] =	sst s0;
	s0 =	simm.s32 @!p2 $0x0  }
0x16: {  	s3 =	sld [smem:$0x3FDB];
	s0 =	simm.s32 @p2 $0x1  }
0x17: {  	s4 =	simm.s32 $0x1BF5;
	[smem:$0x3FBB] =	sst s0  }
0x18: {  	s0 =	sld [smem:$0x3F9E];
	_ =	swait.ge [sflag:s4], $0x0  }
0x19: {  	s7 =	sld [smem:$0x3F9F]  }
0x1a: {  	s8 =	sadd.s32 $0xFFFFE003, lr  }
0x1b: {  	s9 =	sadd.s32 $0xFFFFFEF7, lr;
	s5 =	simm.s32 $0xFFFFFFFF;
	p2 =	slt.u32 s8, $0xFFFFF086  }
0x1c: {  	p1 =	slt.u32 s9, $0xF7A;
	s5 =	simm.s32 @!p2 $0x0  }
0x1d: {  	s5 =	simm.s32 @p1 $0x1;
	p0 =	seq.s32 s7, s2  }
0x1e: {  	s7 =	smul.u32 @!p0 $0xF7A, s2;
	p2 =	seq.s32 @!p0 s5, $0x0  }
0x1f: {  	s9 =	smul.u32 $0xF7A, s1;
	s8 =	simm.s32 @!p0 $0x1BF5;
	p2 =	por !p2, p0  }
0x20: {  	[sflag:s8] =	ssyncset.s32 @!p0 $0xFFFFF086;
	s6 =	sadd.s32 @!p0 s3, s7;
	s7 =	simm.s32 @!p0 $0x108  }
0x21: {  	s3 =	sadd.s32 s3, s9;
	s6 =	sadd.s32 @!p0 $0x88, s6;
	s7 =	simm.s32 @p2 $0x1082  }
0x22: {  	[simem:s7], [sflag:s8] =	dma.local @!p0 [hbm:s6], $0xF7A  }
0x23: {  	s9 =	sor.u32 $0xD0000000, s2;
	s6 =	simm.s32 $0x108;
	_ =	swait.ge @!p0 [sflag:s8], $0x0  }
0x24: {  	s3 =	sadd.s32 $0x88, s3;
	s6 =	simm.s32 @!p1 $0x1082;
	[sflag:s4] =	ssyncset.s32 $0xFFFFF086  }
0x25: {  	[simem:s6], [sflag:s4] =	dma.local [hbm:s3], $0xF7A  }
0x26: {  	[smem:$0x3F9F] =	sst s1;
	(tag) =	ssettag s2;
	_ =	strace s9  }
0x27: {  	s1 =	sld [smem:$0x3FAF]  }
0x28: {  	s2 =	sld [smem:$0x3FB0]  }
0x29: {  	s4 =	sld [smem:$0x3FB2]  }
0x2a: {  	p0 =	seq.s32 s5, $0x0;
	s5 =	sld [smem:$0x3FB3]  }
0x2b: {  	s6 =	sld [smem:$0x3FB4]  }
0x2c: {  	s7 =	sld [smem:$0x3FB5]  }
0x2d: {  	s3 =	simm.s32 $0x108;
	s8 =	sld [smem:$0x3FB6]  }
0x2e: {  	s3 =	simm.s32 @!p0 $0x1082;
	s9 =	sld [smem:$0x3FB7]  }
0x2f: {  	lr =	sadd.s32 s0, s3;
	s0 =	sld [smem:$0x3FAE]  }
0x30: {  	s3 =	sld [smem:$0x3FB1]  }
0x31: {  	[smem:$0x3FBA] =	sst s10  }
0x32: {  	s10 =	sld [smem:$0x3FB8];
	_ =	sdelay $0x3  }
0x33: {  	p0 =	seq.s32 s10, $0x1;
	s10 =	sld [smem:$0x3FBA];
	_ =	sdelay $0x3  }
0x34: {  	[smem:$0x3FBA] =	sst s10  }
0x35: {  	s10 =	sld [smem:$0x3FB9];
	_ =	sdelay $0x3  }
0x36: {  	p1 =	seq.s32 s10, $0x1;
	s10 =	sld [smem:$0x3FBA];
	_ =	sdelay $0x3  }
0x37: {  	[smem:$0x3FBA] =	sst s10  }
0x38: {  	s10 =	sld [smem:$0x3FBB]  }
0x39: {  	_ = 	snop;
	(pc) =	sbr.ind lr, $3  }
0x3a: {  	_ = 	snop  }
0x3b: {  	_ = 	snop  }
0x3c: {  	p2 =	seq.s32 s10, $0x1;
	s10 =	sld [smem:$0x3FBA]  }
0x3d: {  	_ =	shalt  }
0x3e: {  	_ =	shalt  }
0x3f: {  	_ =	shalt  }
0x40: {  	_ =	shalt  }
0x41: {  	_ =	shalt  }
0x42: {  	_ =	shalt  }
0x43: {  	_ =	shalt  }
0x44: {  	_ =	shalt  }
0x45: {  	_ =	shalt  }
0x46: {  	_ =	shalt  }
0x47: {  	_ =	shalt  }
0x48: {  	_ =	shalt  }
0x49: {  	_ =	shalt  }
0x4a: {  	_ =	shalt  }
0x4b: {  	_ =	shalt  }
0x4c: {  	_ =	shalt  }
0x4d: {  	_ =	shalt  }
0x4e: {  	_ =	shalt  }
0x4f: {  	_ =	shalt  }
0x50: {  	_ =	shalt  }
0x51: {  	_ =	shalt  }
0x52: {  	_ =	shalt  }
0x53: {  	_ =	shalt  }
0x54: {  	_ =	shalt  }
0x55: {  	_ =	shalt  }
0x56: {  	_ =	shalt  }
0x57: {  	_ =	shalt  }
0x58: {  	_ =	shalt  }
0x59: {  	_ =	shalt  }
0x5a: {  	_ =	shalt  }
0x5b: {  	_ =	shalt  }
0x5c: {  	_ =	shalt  }
0x5d: {  	_ =	shalt  }
0x5e: {  	_ =	shalt  }
0x5f: {  	_ =	shalt  }
0x60: {  	_ =	shalt  }
0x61: {  	_ =	shalt  }
0x62: {  	_ =	shalt  }
0x63: {  	_ =	shalt  }
0x64: {  	_ =	shalt  }
0x65: {  	_ =	shalt  }
0x66: {  	_ =	shalt  }
0x67: {  	_ =	shalt  }
0x68: {  	_ =	shalt  }
0x69: {  	_ =	shalt  }
0x6a: {  	_ =	shalt  }
0x6b: {  	_ =	shalt  }
0x6c: {  	_ =	shalt  }
0x6d: {  	_ =	shalt  }
0x6e: {  	_ =	shalt  }
0x6f: {  	_ =	shalt  }
0x70: {  	_ =	shalt  }
0x71: {  	_ =	shalt  }
0x72: {  	_ =	shalt  }
0x73: {  	_ =	shalt  }
0x74: {  	_ =	shalt  }
0x75: {  	_ =	shalt  }
0x76: {  	_ =	shalt  }
0x77: {  	_ =	shalt  }
0x78: {  	_ =	shalt  }
0x79: {  	_ =	shalt  }
0x7a: {  	_ =	shalt  }
0x7b: {  	_ =	shalt  }
0x7c: {  	_ =	shalt  }
0x7d: {  	_ =	shalt  }
0x7e: {  	_ =	shalt  }
0x7f: {  	_ =	shalt  }
0x80: {  	_ =	shalt  }
0x81: {  	_ =	shalt  }
0x82: {  	_ =	shalt  }
0x83: {  	_ =	shalt  }
0x84: {  	_ =	shalt  }
0x85: {  	_ =	shalt  }
0x86: {  	_ =	shalt  }
0x87: {  	_ =	shalt  }
.Lfunc_end0:
.L_simem_size_0:
called_computation_lowered:
.L_overlay_start_0:
0x88: {  	s2 =	sld [smem:$0x3FD9]  }
0x89: {  	s3 =	sld [smem:$0x3FFE];
	_ =	sdelay $0x1  }
0x8a: {  	s1 =	srdreg.scid  }
0x8b: {  	s0 =	sand.u32 $0x1, s1  }
0x8c: {  	s18 =	sshll.u32 s0, $0xA;
	s2 =	sadd.s32 s3, s2  }
0x8d: {  	s2 =	sadd.s32 s2, s18  }
0x8e: {  	[smem:$0x3FC6] =	sst s2  }
0x8f: {  	_ = 	snop  }
0x90: {  	s2 =	sld [smem:$0x3FC9]  }
0x91: {  	s19 =	sld [smem:$0x3FC8]  }
0x92: {  	s4 =	sld [smem:$0x3FD0];
	(tm) =	ssettm $0x1  }
0x93: {  	s5 =	sld [smem:$0x3FFB];
	_ =	sdelay $0x3  }
0x94: {  	_ =	strace s5  }
0x95: {  	s5 =	sld [smem:$0x3FFC];
	_ =	sdelay $0x3  }
0x96: {  	_ =	strace s5  }
0x97: {  	s5 =	sld [smem:$0x3FFD];
	_ =	sdelay $0x3  }
0x98: {  	_ =	strace s5  }
0x99: {  	_ =	strace $0x8FFFFFFF  }
0x9a: {  	s20 =	sld [smem:$0x3FDB];
	_ =	sdelay $0x1  }
0x9b: {  	s6 =	simm.s32 $_scs_section_size  }
0x9c: {  	s7 =	simm.s32 $_size__tile_overlayer_lowered;
	s8 =	simm.s32 $_tile_overlayer_lowered  }
0x9d: {  	s23 =	simm.s32 $0x1BFF;
	s22 =	sshll.u32 s8, $0x1;
	s5 =	sadd.s32 s6, s20  }
0x9e: {  	s9 =	simm.s32 $0x0;
	s21 =	sshll.u32 s7, $0x1;
	s7 =	sadd.s32 s22, s5  }
0x9f: {  	[timem:s9], [sflag:s23] =	dma.local [hbm:s7], s21  }
0xa0: {  	_ =	swait.ge [sflag:s23], s21  }
0xa1: {  	s6 =	ssub.s32 $0x0, s21;
	[sflag:s23] =	ssyncset.done $0x0  }
0xa2: {  	[sflag:s23] =	ssyncadd.s32 s6;
	_ =	sdelay $0x1  }
0xa3: {  	s24 =	simm.s32 $0x1B8B  }
0xa4: {  	_ =	swait.ge [sflag:s24], $0x1  }
0xa5: {  	[sflag:s24] =	ssyncset.done $0x0  }
0xa6: {  	s25 =	simm.s32 $0x1B8E;
	[sflag:s24] =	ssyncadd.s32 $0xFFFFFFFF  }
0xa7: {  	s26 =	simm.s32 $execute0_lowered;
	[smem:$0x3FD2] =	sst s25  }
0xa8: {  	s6 =	sshll.u32 s26, $0x1;
	_ =	strace $0x80000046;
	[dreg:$0x1] =	wrdreg $0xFFFFFFFF  }
0xa9: {  	s28 =	simm.s32 $_size_execute0_lowered;
	s5 =	sadd.s32 s5, s6;
	[dreg:$0x0] =	wrdreg $0x0  }
0xaa: {  	s6 =	sshll.u32 s28, $0x1;
	[dreg:$0x2] =	wrdreg s5  }
0xab: {  	[dreg:$0x3] =	wrdreg s6  }
0xac: {  	[dreg:$0x4] =	wrdreg $0xC0  }
0xad: {  	_ =	task [dreg:s9], $0x5FFFF  }
0xae: {  	[dreg:$0x1] =	wrdreg $0xFFFFFFFF  }
0xaf: {  	[dreg:$0x0] =	wrdreg $0x60  }
0xb0: {  	[dreg:$0x2] =	wrdreg s2  }
0xb1: {  	[dreg:$0x3] =	wrdreg s19  }
0xb2: {  	[dreg:$0x4] =	wrdreg s4  }
0xb3: {  	[dreg:$0x5] =	wrdreg $0x9  }
0xb4: {  	_ =	task.clear_ibuf [dreg:s9], $0x6FFFF;
	_ =	strace $0x90000046  }
0xb5: {  	s29 =	simm.s32 $0x9;
	_ =	strace $0x80000048  }
0xb6: {  	_ =	swait.ge [sflag:s29], $0x1  }
0xb7: {  	[sflag:s29] =	ssyncadd.s32 $0xFFFFFFFF  }
0xb8: {  	_ =	strace $0x90000048  }
0xb9: {  	_ =	sfence  }
0xba: {  	s30 =	sld [smem:$0x0];
	_ =	sdelay $0x2  }
0xbb: {  	s31 =	sshll.u32 s1, $0xD;
	s1 =	sshrl.u32 s1, $0x2  }
0xbc: {  	s3 =	sand.u32 $0x4000, s31;
	s1 =	sadd.s32 s1, s30  }
0xbd: {  	s0 =	sor.u32 s3, s0;
	s1 =	sshll.u32 s1, $0x11  }
0xbe: {  	s0 =	sor.u32 s1, s0  }
0xbf: {  	s0 =	sadd.s32 $0x8F2B, s0  }
0xc0: {  	[sflag:s0] =	ssyncadd.remote.s32 $0x1  }
0xc1: {  	_ =	sfence.sel $0xFFFF  }
0xc2: {  	[dreg:$0x0] =	wrdreg $0xFFFFFFFF;
	(pc) =	sbr.abs _section_cstart, $3  }
0xc3: {  	[dreg:$0x1] =	wrdreg $0xFFFFFFFF  }
0xc4: {  	_ =	task.clear_ibuf [dreg:s9], $0x2FFFF;
	_ =	strace $0x9FFFFFFF  }
0xc5: {  	(tm) =	ssettm $0x7FFFFFFF  }
tec
execute0_lowered:
.L_overlay_start_1:
0x0: {  	(tag) =	ssettag $0x1  }
0x1: {  	s1 =	rddreg [dreg:$0x0]  }
0x2: {  	s2 =	rddreg [dreg:$0x1]  }
0x3: {  	s3 =	rddreg [dreg:$0x2]  }
0x4: {  	s4 =	srdreg.scid;
	s0 =	rddreg [dreg:$0x3];
	s5 =	simm.s32 $0x0  }
0x5: {  	s11 =	simm.s32 $0x80;
	s12 =	simm.s32 $0x400;
	s13 =	simm.s32 $0x18700  }
0x6: {  	s14 =	simm.s32 $0x4;
	s15 =	simm.s32 $0x1;
	s16 =	simm.s32 $0x1C700  }
0x7: {  	s17 =	simm.s32 $0x1D700;
	s18 =	simm.s32 $0x2;
	s19 =	simm.s32 $0x3  }
0x8: {  	s20 =	simm.s32 $0x0;
	s6 =	sand.u32 $0x1, s4;
	s4 =	stileid.u32  }
0x9: {  	[smem:$0x7FF] =	sst s5;
	s7 =	ssub.s32 $0x2, s6;
	s9 =	sshll.u32 s4, $0x1  }
0xa: {  	_ =	strace $0x80000047;
	s8 =	sshrl.u32 s7, $0x1;
	s6 =	sor.u32 s6, s9  }
0xb: {  	s9 =	sadd.s32 $0x3000, s3;
	s10 =	ssub.s32 s7, s8;
	s6 =	smul.u32 $0x1A, s6  }
0xc: {  	s7 =	sadd.s32 $0x1000, s3;
	s8 =	sadd.s32 $0x2000, s3;
	s10 =	smax.u32 s10, $0x1  }
.LBB2_1:
0xd: {  	s21 =	simm.s32 $0x0  }
.LBB2_2:
0xe: {  	s24 =	sadd.s32 s6, s21  }
0xf: {  	s22 =	sshrl.u32 s24, $0x3  }
0x10: {  	s23 =	sshll.u32 s24, $0x7;
	s25 =	smul.u32 $0xC3800, s22  }
0x11: {  	s23 =	sand.u32 $0x380, s23  }
0x12: {  	s25 =	sor.u32 s23, s25  }
0x13: {  	s25 =	sshrl.u32 s25, $0x3  }
0x14: {  	s25 =	sadd.s32 s2, s25  }
0x15: {  	[tilespmem:s5], [sflag:$0x1] =	stream.strided.gather [hbm4b:s25+s11], $0x18700, s12, s11, $0x38;
	[tilespmem:$0x1E700] =	vst v63  }
0x16: {  	p0 =	seq.s32 s21, $0x0;
	s25 =	sand.u32 $0x1F, s24  }
0x17: {  	p1 =	seq.s32 @!p0 s25, $0x0  }
0x18: {  	p1 =	por p0, p1  }
.Ltmp0:
0x19: {  	_ = 	snop;
	(pc) =	sbr.rel @p1 .LBB2_4-.Ltmp0, $1  }
0x1a: {  	_ =	sdelay $0x3  }
.Ltmp1:
0x1b: {  	(pc) =	sbr.rel .LBB2_5-.Ltmp1, $4  }
0x1c: {  	_ = 	snop  }
0x1d: {  	_ =	swait.ge [sflag:s15], $0x18700  }
0x1e: {  	[sflag:s15] =	ssyncset.done $0x0  }
0x1f: {  	[sflag:s15] =	ssyncadd.s32 $0xFFFE7900  }
.LBB2_4:
0x20: {  	s25 =	sshrl.u32 s24, $0x1  }
0x21: {  	s31 =	sshll.u32 s24, $0x6;
	s25 =	sand.u32 $0x70, s25  }
0x22: {  	s24 =	sand.u32 $0xFFFC000, s31;
	s25 =	sadd.s32 s1, s25  }
0x23: {  	s24 =	sadd.s32 s24, s25  }
0x24: {  	[tilespmem:s13], [sflag:$0x4] =	stream.strided.gather [hbm4b:s24+s11], $0x4000, s12, s11, $0x38;
	[tilespmem:$0x1E700] =	vst v63  }
0x25: {  	_ =	swait.ge [sflag:s14], $0x4000  }
.Ltmp2:
0x26: {  	[sflag:s14] =	ssyncset.done $0x0;
	(pc) =	sbr.rel @p0 .LBB2_6-.Ltmp2, $4  }
0x27: {  	[sflag:s14] =	ssyncadd.s32 $0xFFFFC000  }
0x28: {  	_ =	swait.ge [sflag:s15], $0x18700  }
0x29: {  	[sflag:s15] =	ssyncset.done $0x0  }
0x2a: {  	[sflag:s15] =	ssyncadd.s32 $0xFFFE7900  }
.LBB2_5:
0x2b: {  	_ =	swait.ge [sflag:s18], $0x1000  }
0x2c: {  	[sflag:s18] =	ssyncset.done $0x0  }
0x2d: {  	[sflag:s18] =	ssyncadd.s32 $0xFFFFF000  }
.LBB2_6:
0x2e: {  	s24 =	simm.s32 $0xFFFFFFE0;
	s25 =	simm.s32 $0x1C800;
	s26 =	simm.s32 $0x18800  }
.LBB2_7:
0x2f: {  	v0 =	vld [tilespmem:s26+$0xFFFFFF00];
	_ =	sdelay $0x7  }
0x30: {  	v0 =	vld.idx.msk [tilespmem:v0+s5+$0x0], $0xffff;
	_ =	sdelay $0x4  }
0x31: {  	[tilespmem:s25+$0xFFFFFF00] =	vst v0  }
0x32: {  	v0 =	vld [tilespmem:s26+$0xFFFFFF10];
	_ =	sdelay $0x7  }
0x33: {  	v0 =	vld.idx.msk [tilespmem:v0+s5+$0x0], $0xffff;
	_ =	sdelay $0x4  }
0x34: {  	[tilespmem:s25+$0xFFFFFF10] =	vst v0  }
0x35: {  	v0 =	vld [tilespmem:s26+$0xFFFFFF20];
	_ =	sdelay $0x7  }
0x36: {  	v0 =	vld.idx.msk [tilespmem:v0+s5+$0x0], $0xffff;
	_ =	sdelay $0x4  }
0x37: {  	[tilespmem:s25+$0xFFFFFF20] =	vst v0  }
0x38: {  	v0 =	vld [tilespmem:s26+$0xFFFFFF30];
	_ =	sdelay $0x7  }
0x39: {  	v0 =	vld.idx.msk [tilespmem:v0+s5+$0x0], $0xffff;
	_ =	sdelay $0x4  }
0x3a: {  	[tilespmem:s25+$0xFFFFFF30] =	vst v0  }
0x3b: {  	v0 =	vld [tilespmem:s26+$0xFFFFFF40];
	_ =	sdelay $0x7  }
0x3c: {  	v0 =	vld.idx.msk [tilespmem:v0+s5+$0x0], $0xffff;
	_ =	sdelay $0x4  }
0x3d: {  	[tilespmem:s25+$0xFFFFFF40] =	vst v0  }
0x3e: {  	v0 =	vld [tilespmem:s26+$0xFFFFFF50];
	_ =	sdelay $0x7  }
0x3f: {  	v0 =	vld.idx.msk [tilespmem:v0+s5+$0x0], $0xffff;
	_ =	sdelay $0x4  }
0x40: {  	[tilespmem:s25+$0xFFFFFF50] =	vst v0  }
0x41: {  	v0 =	vld [tilespmem:s26+$0xFFFFFF60];
	_ =	sdelay $0x7  }
0x42: {  	v0 =	vld.idx.msk [tilespmem:v0+s5+$0x0], $0xffff;
	_ =	sdelay $0x4  }
0x43: {  	[tilespmem:s25+$0xFFFFFF60] =	vst v0  }
0x44: {  	v0 =	vld [tilespmem:s26+$0xFFFFFF70];
	_ =	sdelay $0x7  }
0x45: {  	v0 =	vld.idx.msk [tilespmem:v0+s5+$0x0], $0xffff;
	_ =	sdelay $0x4  }
0x46: {  	[tilespmem:s25+$0xFFFFFF70] =	vst v0  }
0x47: {  	v0 =	vld [tilespmem:s26+$0xFFFFFF80];
	_ =	sdelay $0x7  }
0x48: {  	v0 =	vld.idx.msk [tilespmem:v0+s5+$0x0], $0xffff;
	_ =	sdelay $0x4  }
0x49: {  	[tilespmem:s25+$0xFFFFFF80] =	vst v0  }
0x4a: {  	v0 =	vld [tilespmem:s26+$0xFFFFFF90];
	_ =	sdelay $0x7  }
0x4b: {  	v0 =	vld.idx.msk [tilespmem:v0+s5+$0x0], $0xffff;
	_ =	sdelay $0x4  }
0x4c: {  	[tilespmem:s25+$0xFFFFFF90] =	vst v0  }
0x4d: {  	v0 =	vld [tilespmem:s26+$0xFFFFFFA0];
	_ =	sdelay $0x7  }
0x4e: {  	v0 =	vld.idx.msk [tilespmem:v0+s5+$0x0], $0xffff;
	_ =	sdelay $0x4  }
0x4f: {  	[tilespmem:s25+$0xFFFFFFA0] =	vst v0  }
0x50: {  	v0 =	vld [tilespmem:s26+$0xFFFFFFB0];
	_ =	sdelay $0x7  }
0x51: {  	v0 =	vld.idx.msk [tilespmem:v0+s5+$0x0], $0xffff;
	_ =	sdelay $0x4  }
0x52: {  	[tilespmem:s25+$0xFFFFFFB0] =	vst v0  }
0x53: {  	v0 =	vld [tilespmem:s26+$0xFFFFFFC0];
	_ =	sdelay $0x7  }
0x54: {  	v0 =	vld.idx.msk [tilespmem:v0+s5+$0x0], $0xffff;
	_ =	sdelay $0x4  }
0x55: {  	[tilespmem:s25+$0xFFFFFFC0] =	vst v0  }
0x56: {  	v0 =	vld [tilespmem:s26+$0xFFFFFFD0];
	_ =	sdelay $0x7  }
0x57: {  	v0 =	vld.idx.msk [tilespmem:v0+s5+$0x0], $0xffff;
	_ =	sdelay $0x4  }
0x58: {  	[tilespmem:s25+$0xFFFFFFD0] =	vst v0  }
0x59: {  	v0 =	vld [tilespmem:s26+$0xFFFFFFE0];
	_ =	sdelay $0x7  }
0x5a: {  	v0 =	vld.idx.msk [tilespmem:v0+s5+$0x0], $0xffff;
	_ =	sdelay $0x4  }
0x5b: {  	[tilespmem:s25+$0xFFFFFFE0] =	vst v0  }
0x5c: {  	v0 =	vld [tilespmem:s26+$0xFFFFFFF0];
	_ =	sdelay $0x7  }
0x5d: {  	v0 =	vld.idx.msk [tilespmem:v0+s5+$0x0], $0xffff;
	_ =	sdelay $0x4  }
0x5e: {  	[tilespmem:s25+$0xFFFFFFF0] =	vst v0  }
0x5f: {  	v0 =	vld [tilespmem:s26+$0x0];
	_ =	sdelay $0x7  }
0x60: {  	v0 =	vld.idx.msk [tilespmem:v0+s5+$0x0], $0xffff;
	_ =	sdelay $0x4  }
0x61: {  	[tilespmem:s25+$0x0] =	vst v0  }
0x62: {  	v0 =	vld [tilespmem:s26+$0x10];
	_ =	sdelay $0x7  }
0x63: {  	v0 =	vld.idx.msk [tilespmem:v0+s5+$0x0], $0xffff;
	_ =	sdelay $0x4  }
0x64: {  	[tilespmem:s25+$0x10] =	vst v0  }
0x65: {  	v0 =	vld [tilespmem:s26+$0x20];
	_ =	sdelay $0x7  }
0x66: {  	v0 =	vld.idx.msk [tilespmem:v0+s5+$0x0], $0xffff;
	_ =	sdelay $0x4  }
0x67: {  	[tilespmem:s25+$0x20] =	vst v0  }
0x68: {  	v0 =	vld [tilespmem:s26+$0x30];
	_ =	sdelay $0x7  }
0x69: {  	v0 =	vld.idx.msk [tilespmem:v0+s5+$0x0], $0xffff;
	_ =	sdelay $0x4  }
0x6a: {  	[tilespmem:s25+$0x30] =	vst v0  }
0x6b: {  	v0 =	vld [tilespmem:s26+$0x40];
	_ =	sdelay $0x7  }
0x6c: {  	v0 =	vld.idx.msk [tilespmem:v0+s5+$0x0], $0xffff;
	_ =	sdelay $0x4  }
0x6d: {  	[tilespmem:s25+$0x40] =	vst v0  }
0x6e: {  	v0 =	vld [tilespmem:s26+$0x50];
	_ =	sdelay $0x7  }
0x6f: {  	v0 =	vld.idx.msk [tilespmem:v0+s5+$0x0], $0xffff;
	_ =	sdelay $0x4  }
0x70: {  	[tilespmem:s25+$0x50] =	vst v0  }
0x71: {  	v0 =	vld [tilespmem:s26+$0x60];
	_ =	sdelay $0x7  }
0x72: {  	v0 =	vld.idx.msk [tilespmem:v0+s5+$0x0], $0xffff;
	_ =	sdelay $0x4  }
0x73: {  	[tilespmem:s25+$0x60] =	vst v0  }
0x74: {  	v0 =	vld [tilespmem:s26+$0x70];
	_ =	sdelay $0x7  }
0x75: {  	v0 =	vld.idx.msk [tilespmem:v0+s5+$0x0], $0xffff;
	_ =	sdelay $0x4  }
0x76: {  	[tilespmem:s25+$0x70] =	vst v0  }
0x77: {  	v0 =	vld [tilespmem:s26+$0x80];
	_ =	sdelay $0x7  }
0x78: {  	v0 =	vld.idx.msk [tilespmem:v0+s5+$0x0], $0xffff;
	_ =	sdelay $0x4  }
0x79: {  	[tilespmem:s25+$0x80] =	vst v0  }
0x7a: {  	v0 =	vld [tilespmem:s26+$0x90];
	_ =	sdelay $0x7  }
0x7b: {  	v0 =	vld.idx.msk [tilespmem:v0+s5+$0x0], $0xffff;
	_ =	sdelay $0x4  }
0x7c: {  	[tilespmem:s25+$0x90] =	vst v0  }
0x7d: {  	v0 =	vld [tilespmem:s26+$0xA0];
	_ =	sdelay $0x7  }
0x7e: {  	v0 =	vld.idx.msk [tilespmem:v0+s5+$0x0], $0xffff;
	_ =	sdelay $0x4  }
0x7f: {  	[tilespmem:s25+$0xA0] =	vst v0  }
0x80: {  	v0 =	vld [tilespmem:s26+$0xB0];
	_ =	sdelay $0x7  }
0x81: {  	v0 =	vld.idx.msk [tilespmem:v0+s5+$0x0], $0xffff;
	_ =	sdelay $0x4  }
0x82: {  	[tilespmem:s25+$0xB0] =	vst v0  }
0x83: {  	v0 =	vld [tilespmem:s26+$0xC0];
	_ =	sdelay $0x7  }
0x84: {  	v0 =	vld.idx.msk [tilespmem:v0+s5+$0x0], $0xffff;
	_ =	sdelay $0x4  }
0x85: {  	[tilespmem:s25+$0xC0] =	vst v0  }
0x86: {  	v0 =	vld [tilespmem:s26+$0xD0];
	_ =	sdelay $0x7  }
0x87: {  	v0 =	vld.idx.msk [tilespmem:v0+s5+$0x0], $0xffff;
	_ =	sdelay $0x4  }
0x88: {  	[tilespmem:s25+$0xD0] =	vst v0  }
0x89: {  	v0 =	vld [tilespmem:s26+$0xE0];
	_ =	sdelay $0x7  }
0x8a: {  	v0 =	vld.idx.msk [tilespmem:v0+s5+$0x0], $0xffff;
	_ =	sdelay $0x4  }
0x8b: {  	[tilespmem:s25+$0xE0] =	vst v0  }
0x8c: {  	v0 =	vld [tilespmem:s26+$0xF0];
	_ =	sdelay $0x6  }
0x8d: {  	s24 =	sadd.s32 $0x20, s24  }
0x8e: {  	p1 =	slt.u32 s24, $0xE0;
	v0 =	vld.idx.msk [tilespmem:v0+s5+$0x0], $0xffff  }
.Ltmp3:
0x8f: {  	_ = 	snop;
	(pc) =	sbr.rel @p1 .LBB2_7-.Ltmp3, $2  }
0x90: {  	_ =	sdelay $0x2  }
0x91: {  	s26 =	sadd.s32 $0x200, s26;
	[tilespmem:s25+$0xF0] =	vst v0;
	s25 =	sadd.s32 $0x200, s25  }
0x92: {  	s22 =	sshll.u32 s22, $0x11  }
0x93: {  	s22 =	sor.u32 s23, s22  }
0x94: {  	s22 =	sshrl.u32 s22, $0x3  }
0x95: {  	s23 =	simm.s32 @!p0 $0x3;
	s31 =	sadd.s32 s3, s22  }
0x96: {  	[hbm4b:s31+s11] =	stream.strided.scatter [tilespmem:s16], [sflag:$0x2], $0x1000, s12, s11, $0x38;
	[tilespmem:$0x1E700] =	vst v63  }
0x97: {  	_ =	swait.ge @!p0 [sflag:s23], $0x1000  }
0x98: {  	s24 =	simm.s32 $0x198F0;
	[sflag:s23] =	ssyncset.done @!p0 $0x0  }
0x99: {  	s25 =	simm.s32 $0x1D800;
	[sflag:s23] =	ssyncadd.s32 @!p0 $0xFFFFF000;
	s23 =	simm.s32 $0xFFFFFFE0  }
.LBB2_9:
0x9a: {  	v0 =	vld [tilespmem:s24+$0xFFFFFE10];
	_ =	sdelay $0x7  }
0x9b: {  	v0 =	vld.idx.msk [tilespmem:v0+s5+$0x0], $0xffff;
	_ =	sdelay $0x4  }
0x9c: {  	[tilespmem:s25+$0xFFFFFF00] =	vst v0  }
0x9d: {  	v0 =	vld [tilespmem:s24+$0xFFFFFE20];
	_ =	sdelay $0x7  }
0x9e: {  	v0 =	vld.idx.msk [tilespmem:v0+s5+$0x0], $0xffff;
	_ =	sdelay $0x4  }
0x9f: {  	[tilespmem:s25+$0xFFFFFF10] =	vst v0  }
0xa0: {  	v0 =	vld [tilespmem:s24+$0xFFFFFE30];
	_ =	sdelay $0x7  }
0xa1: {  	v0 =	vld.idx.msk [tilespmem:v0+s5+$0x0], $0xffff;
	_ =	sdelay $0x4  }
0xa2: {  	[tilespmem:s25+$0xFFFFFF20] =	vst v0  }
0xa3: {  	v0 =	vld [tilespmem:s24+$0xFFFFFE40];
	_ =	sdelay $0x7  }
0xa4: {  	v0 =	vld.idx.msk [tilespmem:v0+s5+$0x0], $0xffff;
	_ =	sdelay $0x4  }
0xa5: {  	[tilespmem:s25+$0xFFFFFF30] =	vst v0  }
0xa6: {  	v0 =	vld [tilespmem:s24+$0xFFFFFE50];
	_ =	sdelay $0x7  }
0xa7: {  	v0 =	vld.idx.msk [tilespmem:v0+s5+$0x0], $0xffff;
	_ =	sdelay $0x4  }
0xa8: {  	[tilespmem:s25+$0xFFFFFF40] =	vst v0  }
0xa9: {  	v0 =	vld [tilespmem:s24+$0xFFFFFE60];
	_ =	sdelay $0x7  }
0xaa: {  	v0 =	vld.idx.msk [tilespmem:v0+s5+$0x0], $0xffff;
	_ =	sdelay $0x4  }
0xab: {  	[tilespmem:s25+$0xFFFFFF50] =	vst v0  }
0xac: {  	v0 =	vld [tilespmem:s24+$0xFFFFFE70];
	_ =	sdelay $0x7  }
0xad: {  	v0 =	vld.idx.msk [tilespmem:v0+s5+$0x0], $0xffff;
	_ =	sdelay $0x4  }
0xae: {  	[tilespmem:s25+$0xFFFFFF60] =	vst v0  }
0xaf: {  	v0 =	vld [tilespmem:s24+$0xFFFFFE80];
	_ =	sdelay $0x7  }
0xb0: {  	v0 =	vld.idx.msk [tilespmem:v0+s5+$0x0], $0xffff;
	_ =	sdelay $0x4  }
0xb1: {  	[tilespmem:s25+$0xFFFFFF70] =	vst v0  }
0xb2: {  	v0 =	vld [tilespmem:s24+$0xFFFFFE90];
	_ =	sdelay $0x7  }
0xb3: {  	v0 =	vld.idx.msk [tilespmem:v0+s5+$0x0], $0xffff;
	_ =	sdelay $0x4  }
0xb4: {  	[tilespmem:s25+$0xFFFFFF80] =	vst v0  }
0xb5: {  	v0 =	vld [tilespmem:s24+$0xFFFFFEA0];
	_ =	sdelay $0x7  }
0xb6: {  	v0 =	vld.idx.msk [tilespmem:v0+s5+$0x0], $0xffff;
	_ =	sdelay $0x4  }
0xb7: {  	[tilespmem:s25+$0xFFFFFF90] =	vst v0  }
0xb8: {  	v0 =	vld [tilespmem:s24+$0xFFFFFEB0];
	_ =	sdelay $0x7  }
0xb9: {  	v0 =	vld.idx.msk [tilespmem:v0+s5+$0x0], $0xffff;
	_ =	sdelay $0x4  }
0xba: {  	[tilespmem:s25+$0xFFFFFFA0] =	vst v0  }
0xbb: {  	v0 =	vld [tilespmem:s24+$0xFFFFFEC0];
	_ =	sdelay $0x7  }
0xbc: {  	v0 =	vld.idx.msk [tilespmem:v0+s5+$0x0], $0xffff;
	_ =	sdelay $0x4  }
0xbd: {  	[tilespmem:s25+$0xFFFFFFB0] =	vst v0  }
0xbe: {  	v0 =	vld [tilespmem:s24+$0xFFFFFED0];
	_ =	sdelay $0x7  }
0xbf: {  	v0 =	vld.idx.msk [tilespmem:v0+s5+$0x0], $0xffff;
	_ =	sdelay $0x4  }
0xc0: {  	[tilespmem:s25+$0xFFFFFFC0] =	vst v0  }
0xc1: {  	v0 =	vld [tilespmem:s24+$0xFFFFFEE0];
	_ =	sdelay $0x7  }
0xc2: {  	v0 =	vld.idx.msk [tilespmem:v0+s5+$0x0], $0xffff;
	_ =	sdelay $0x4  }
0xc3: {  	[tilespmem:s25+$0xFFFFFFD0] =	vst v0  }
0xc4: {  	v0 =	vld [tilespmem:s24+$0xFFFFFEF0];
	_ =	sdelay $0x7  }
0xc5: {  	v0 =	vld.idx.msk [tilespmem:v0+s5+$0x0], $0xffff;
	_ =	sdelay $0x4  }
0xc6: {  	[tilespmem:s25+$0xFFFFFFE0] =	vst v0  }
0xc7: {  	v0 =	vld [tilespmem:s24+$0xFFFFFF00];
	_ =	sdelay $0x7  }
0xc8: {  	v0 =	vld.idx.msk [tilespmem:v0+s5+$0x0], $0xffff;
	_ =	sdelay $0x4  }
0xc9: {  	[tilespmem:s25+$0xFFFFFFF0] =	vst v0  }
0xca: {  	v0 =	vld [tilespmem:s24+$0xFFFFFF10];
	_ =	sdelay $0x7  }
0xcb: {  	v0 =	vld.idx.msk [tilespmem:v0+s5+$0x0], $0xffff;
	_ =	sdelay $0x4  }
0xcc: {  	[tilespmem:s25+$0x0] =	vst v0  }
0xcd: {  	v0 =	vld [tilespmem:s24+$0xFFFFFF20];
	_ =	sdelay $0x7  }
0xce: {  	v0 =	vld.idx.msk [tilespmem:v0+s5+$0x0], $0xffff;
	_ =	sdelay $0x4  }
0xcf: {  	[tilespmem:s25+$0x10] =	vst v0  }
0xd0: {  	v0 =	vld [tilespmem:s24+$0xFFFFFF30];
	_ =	sdelay $0x7  }
0xd1: {  	v0 =	vld.idx.msk [tilespmem:v0+s5+$0x0], $0xffff;
	_ =	sdelay $0x4  }
0xd2: {  	[tilespmem:s25+$0x20] =	vst v0  }
0xd3: {  	v0 =	vld [tilespmem:s24+$0xFFFFFF40];
	_ =	sdelay $0x7  }
0xd4: {  	v0 =	vld.idx.msk [tilespmem:v0+s5+$0x0], $0xffff;
	_ =	sdelay $0x4  }
0xd5: {  	[tilespmem:s25+$0x30] =	vst v0  }
0xd6: {  	v0 =	vld [tilespmem:s24+$0xFFFFFF50];
	_ =	sdelay $0x7  }
0xd7: {  	v0 =	vld.idx.msk [tilespmem:v0+s5+$0x0], $0xffff;
	_ =	sdelay $0x4  }
0xd8: {  	[tilespmem:s25+$0x40] =	vst v0  }
0xd9: {  	v0 =	vld [tilespmem:s24+$0xFFFFFF60];
	_ =	sdelay $0x7  }
0xda: {  	v0 =	vld.idx.msk [tilespmem:v0+s5+$0x0], $0xffff;
	_ =	sdelay $0x4  }
0xdb: {  	[tilespmem:s25+$0x50] =	vst v0  }
0xdc: {  	v0 =	vld [tilespmem:s24+$0xFFFFFF70];
	_ =	sdelay $0x7  }
0xdd: {  	v0 =	vld.idx.msk [tilespmem:v0+s5+$0x0], $0xffff;
	_ =	sdelay $0x4  }
0xde: {  	[tilespmem:s25+$0x60] =	vst v0  }
0xdf: {  	v0 =	vld [tilespmem:s24+$0xFFFFFF80];
	_ =	sdelay $0x7  }
0xe0: {  	v0 =	vld.idx.msk [tilespmem:v0+s5+$0x0], $0xffff;
	_ =	sdelay $0x4  }
0xe1: {  	[tilespmem:s25+$0x70] =	vst v0  }
0xe2: {  	v0 =	vld [tilespmem:s24+$0xFFFFFF90];
	_ =	sdelay $0x7  }
0xe3: {  	v0 =	vld.idx.msk [tilespmem:v0+s5+$0x0], $0xffff;
	_ =	sdelay $0x4  }
0xe4: {  	[tilespmem:s25+$0x80] =	vst v0  }
0xe5: {  	v0 =	vld [tilespmem:s24+$0xFFFFFFA0];
	_ =	sdelay $0x7  }
0xe6: {  	v0 =	vld.idx.msk [tilespmem:v0+s5+$0x0], $0xffff;
	_ =	sdelay $0x4  }
0xe7: {  	[tilespmem:s25+$0x90] =	vst v0  }
0xe8: {  	v0 =	vld [tilespmem:s24+$0xFFFFFFB0];
	_ =	sdelay $0x7  }
0xe9: {  	v0 =	vld.idx.msk [tilespmem:v0+s5+$0x0], $0xffff;
	_ =	sdelay $0x4  }
0xea: {  	[tilespmem:s25+$0xA0] =	vst v0  }
0xeb: {  	v0 =	vld [tilespmem:s24+$0xFFFFFFC0];
	_ =	sdelay $0x7  }
0xec: {  	v0 =	vld.idx.msk [tilespmem:v0+s5+$0x0], $0xffff;
	_ =	sdelay $0x4  }
0xed: {  	[tilespmem:s25+$0xB0] =	vst v0  }
0xee: {  	v0 =	vld [tilespmem:s24+$0xFFFFFFD0];
	_ =	sdelay $0x7  }
0xef: {  	v0 =	vld.idx.msk [tilespmem:v0+s5+$0x0], $0xffff;
	_ =	sdelay $0x4  }
0xf0: {  	[tilespmem:s25+$0xC0] =	vst v0  }
0xf1: {  	v0 =	vld [tilespmem:s24+$0xFFFFFFE0];
	_ =	sdelay $0x7  }
0xf2: {  	v0 =	vld.idx.msk [tilespmem:v0+s5+$0x0], $0xffff;
	_ =	sdelay $0x4  }
0xf3: {  	[tilespmem:s25+$0xD0] =	vst v0  }
0xf4: {  	v0 =	vld [tilespmem:s24+$0xFFFFFFF0];
	_ =	sdelay $0x7  }
0xf5: {  	v0 =	vld.idx.msk [tilespmem:v0+s5+$0x0], $0xffff;
	_ =	sdelay $0x4  }
0xf6: {  	[tilespmem:s25+$0xE0] =	vst v0  }
0xf7: {  	v0 =	vld [tilespmem:s24+$0x0];
	_ =	sdelay $0x6  }
0xf8: {  	s23 =	sadd.s32 $0x20, s23  }
0xf9: {  	p0 =	slt.u32 s23, $0xE0;
	v0 =	vld.idx.msk [tilespmem:v0+s5+$0x0], $0xffff  }
.Ltmp4:
0xfa: {  	_ = 	snop;
	(pc) =	sbr.rel @p0 .LBB2_9-.Ltmp4, $2  }
0xfb: {  	_ =	sdelay $0x2  }
0xfc: {  	s24 =	sadd.s32 $0x200, s24;
	[tilespmem:s25+$0xF0] =	vst v0;
	s25 =	sadd.s32 $0x200, s25  }
0xfd: {  	s23 =	sadd.s32 s22, s7  }
0xfe: {  	[hbm4b:s23+s11] =	stream.strided.scatter [tilespmem:s17], [sflag:$0x3], $0x1000, s12, s11, $0x38;
	[tilespmem:$0x1E700] =	vst v63  }
0xff: {  	_ =	swait.ge [sflag:s18], $0x1000  }
0x100: {  	s24 =	simm.s32 $0x1A8F0;
	[sflag:s18] =	ssyncset.done $0x0  }
0x101: {  	s25 =	simm.s32 $0x1C800;
	s23 =	simm.s32 $0xFFFFFFE0;
	[sflag:s18] =	ssyncadd.s32 $0xFFFFF000  }
.LBB2_11:
0x102: {  	v0 =	vld [tilespmem:s24+$0xFFFFFE10];
	_ =	sdelay $0x7  }
0x103: {  	v0 =	vld.idx.msk [tilespmem:v0+s5+$0x0], $0xffff;
	_ =	sdelay $0x4  }
0x104: {  	[tilespmem:s25+$0xFFFFFF00] =	vst v0  }
0x105: {  	v0 =	vld [tilespmem:s24+$0xFFFFFE20];
	_ =	sdelay $0x7  }
0x106: {  	v0 =	vld.idx.msk [tilespmem:v0+s5+$0x0], $0xffff;
	_ =	sdelay $0x4  }
0x107: {  	[tilespmem:s25+$0xFFFFFF10] =	vst v0  }
0x108: {  	v0 =	vld [tilespmem:s24+$0xFFFFFE30];
	_ =	sdelay $0x7  }
0x109: {  	v0 =	vld.idx.msk [tilespmem:v0+s5+$0x0], $0xffff;
	_ =	sdelay $0x4  }
0x10a: {  	[tilespmem:s25+$0xFFFFFF20] =	vst v0  }
0x10b: {  	v0 =	vld [tilespmem:s24+$0xFFFFFE40];
	_ =	sdelay $0x7  }
0x10c: {  	v0 =	vld.idx.msk [tilespmem:v0+s5+$0x0], $0xffff;
	_ =	sdelay $0x4  }
0x10d: {  	[tilespmem:s25+$0xFFFFFF30] =	vst v0  }
0x10e: {  	v0 =	vld [tilespmem:s24+$0xFFFFFE50];
	_ =	sdelay $0x7  }
0x10f: {  	v0 =	vld.idx.msk [tilespmem:v0+s5+$0x0], $0xffff;
	_ =	sdelay $0x4  }
0x110: {  	[tilespmem:s25+$0xFFFFFF40] =	vst v0  }
0x111: {  	v0 =	vld [tilespmem:s24+$0xFFFFFE60];
	_ =	sdelay $0x7  }
0x112: {  	v0 =	vld.idx.msk [tilespmem:v0+s5+$0x0], $0xffff;
	_ =	sdelay $0x4  }
0x113: {  	[tilespmem:s25+$0xFFFFFF50] =	vst v0  }
0x114: {  	v0 =	vld [tilespmem:s24+$0xFFFFFE70];
	_ =	sdelay $0x7  }
0x115: {  	v0 =	vld.idx.msk [tilespmem:v0+s5+$0x0], $0xffff;
	_ =	sdelay $0x4  }
0x116: {  	[tilespmem:s25+$0xFFFFFF60] =	vst v0  }
0x117: {  	v0 =	vld [tilespmem:s24+$0xFFFFFE80];
	_ =	sdelay $0x7  }
0x118: {  	v0 =	vld.idx.msk [tilespmem:v0+s5+$0x0], $0xffff;
	_ =	sdelay $0x4  }
0x119: {  	[tilespmem:s25+$0xFFFFFF70] =	vst v0  }
0x11a: {  	v0 =	vld [tilespmem:s24+$0xFFFFFE90];
	_ =	sdelay $0x7  }
0x11b: {  	v0 =	vld.idx.msk [tilespmem:v0+s5+$0x0], $0xffff;
	_ =	sdelay $0x4  }
0x11c: {  	[tilespmem:s25+$0xFFFFFF80] =	vst v0  }
0x11d: {  	v0 =	vld [tilespmem:s24+$0xFFFFFEA0];
	_ =	sdelay $0x7  }
0x11e: {  	v0 =	vld.idx.msk [tilespmem:v0+s5+$0x0], $0xffff;
	_ =	sdelay $0x4  }
0x11f: {  	[tilespmem:s25+$0xFFFFFF90] =	vst v0  }
0x120: {  	v0 =	vld [tilespmem:s24+$0xFFFFFEB0];
	_ =	sdelay $0x7  }
0x121: {  	v0 =	vld.idx.msk [tilespmem:v0+s5+$0x0], $0xffff;
	_ =	sdelay $0x4  }
0x122: {  	[tilespmem:s25+$0xFFFFFFA0] =	vst v0  }
0x123: {  	v0 =	vld [tilespmem:s24+$0xFFFFFEC0];
	_ =	sdelay $0x7  }
0x124: {  	v0 =	vld.idx.msk [tilespmem:v0+s5+$0x0], $0xffff;
	_ =	sdelay $0x4  }
0x125: {  	[tilespmem:s25+$0xFFFFFFB0] =	vst v0  }
0x126: {  	v0 =	vld [tilespmem:s24+$0xFFFFFED0];
	_ =	sdelay $0x7  }
0x127: {  	v0 =	vld.idx.msk [tilespmem:v0+s5+$0x0], $0xffff;
	_ =	sdelay $0x4  }
0x128: {  	[tilespmem:s25+$0xFFFFFFC0] =	vst v0  }
0x129: {  	v0 =	vld [tilespmem:s24+$0xFFFFFEE0];
	_ =	sdelay $0x7  }
0x12a: {  	v0 =	vld.idx.msk [tilespmem:v0+s5+$0x0], $0xffff;
	_ =	sdelay $0x4  }
0x12b: {  	[tilespmem:s25+$0xFFFFFFD0] =	vst v0  }
0x12c: {  	v0 =	vld [tilespmem:s24+$0xFFFFFEF0];
	_ =	sdelay $0x7  }
0x12d: {  	v0 =	vld.idx.msk [tilespmem:v0+s5+$0x0], $0xffff;
	_ =	sdelay $0x4  }
0x12e: {  	[tilespmem:s25+$0xFFFFFFE0] =	vst v0  }
0x12f: {  	v0 =	vld [tilespmem:s24+$0xFFFFFF00];
	_ =	sdelay $0x7  }
0x130: {  	v0 =	vld.idx.msk [tilespmem:v0+s5+$0x0], $0xffff;
	_ =	sdelay $0x4  }
0x131: {  	[tilespmem:s25+$0xFFFFFFF0] =	vst v0  }
0x132: {  	v0 =	vld [tilespmem:s24+$0xFFFFFF10];
	_ =	sdelay $0x7  }
0x133: {  	v0 =	vld.idx.msk [tilespmem:v0+s5+$0x0], $0xffff;
	_ =	sdelay $0x4  }
0x134: {  	[tilespmem:s25+$0x0] =	vst v0  }
0x135: {  	v0 =	vld [tilespmem:s24+$0xFFFFFF20];
	_ =	sdelay $0x7  }
0x136: {  	v0 =	vld.idx.msk [tilespmem:v0+s5+$0x0], $0xffff;
	_ =	sdelay $0x4  }
0x137: {  	[tilespmem:s25+$0x10] =	vst v0  }
0x138: {  	v0 =	vld [tilespmem:s24+$0xFFFFFF30];
	_ =	sdelay $0x7  }
0x139: {  	v0 =	vld.idx.msk [tilespmem:v0+s5+$0x0], $0xffff;
	_ =	sdelay $0x4  }
0x13a: {  	[tilespmem:s25+$0x20] =	vst v0  }
0x13b: {  	v0 =	vld [tilespmem:s24+$0xFFFFFF40];
	_ =	sdelay $0x7  }
0x13c: {  	v0 =	vld.idx.msk [tilespmem:v0+s5+$0x0], $0xffff;
	_ =	sdelay $0x4  }
0x13d: {  	[tilespmem:s25+$0x30] =	vst v0  }
0x13e: {  	v0 =	vld [tilespmem:s24+$0xFFFFFF50];
	_ =	sdelay $0x7  }
0x13f: {  	v0 =	vld.idx.msk [tilespmem:v0+s5+$0x0], $0xffff;
	_ =	sdelay $0x4  }
0x140: {  	[tilespmem:s25+$0x40] =	vst v0  }
0x141: {  	v0 =	vld [tilespmem:s24+$0xFFFFFF60];
	_ =	sdelay $0x7  }
0x142: {  	v0 =	vld.idx.msk [tilespmem:v0+s5+$0x0], $0xffff;
	_ =	sdelay $0x4  }
0x143: {  	[tilespmem:s25+$0x50] =	vst v0  }
0x144: {  	v0 =	vld [tilespmem:s24+$0xFFFFFF70];
	_ =	sdelay $0x7  }
0x145: {  	v0 =	vld.idx.msk [tilespmem:v0+s5+$0x0], $0xffff;
	_ =	sdelay $0x4  }
0x146: {  	[tilespmem:s25+$0x60] =	vst v0  }
0x147: {  	v0 =	vld [tilespmem:s24+$0xFFFFFF80];
	_ =	sdelay $0x7  }
0x148: {  	v0 =	vld.idx.msk [tilespmem:v0+s5+$0x0], $0xffff;
	_ =	sdelay $0x4  }
0x149: {  	[tilespmem:s25+$0x70] =	vst v0  }
0x14a: {  	v0 =	vld [tilespmem:s24+$0xFFFFFF90];
	_ =	sdelay $0x7  }
0x14b: {  	v0 =	vld.idx.msk [tilespmem:v0+s5+$0x0], $0xffff;
	_ =	sdelay $0x4  }
0x14c: {  	[tilespmem:s25+$0x80] =	vst v0  }
0x14d: {  	v0 =	vld [tilespmem:s24+$0xFFFFFFA0];
	_ =	sdelay $0x7  }
0x14e: {  	v0 =	vld.idx.msk [tilespmem:v0+s5+$0x0], $0xffff;
	_ =	sdelay $0x4  }
0x14f: {  	[tilespmem:s25+$0x90] =	vst v0  }
0x150: {  	v0 =	vld [tilespmem:s24+$0xFFFFFFB0];
	_ =	sdelay $0x7  }
0x151: {  	v0 =	vld.idx.msk [tilespmem:v0+s5+$0x0], $0xffff;
	_ =	sdelay $0x4  }
0x152: {  	[tilespmem:s25+$0xA0] =	vst v0  }
0x153: {  	v0 =	vld [tilespmem:s24+$0xFFFFFFC0];
	_ =	sdelay $0x7  }
0x154: {  	v0 =	vld.idx.msk [tilespmem:v0+s5+$0x0], $0xffff;
	_ =	sdelay $0x4  }
0x155: {  	[tilespmem:s25+$0xB0] =	vst v0  }
0x156: {  	v0 =	vld [tilespmem:s24+$0xFFFFFFD0];
	_ =	sdelay $0x7  }
0x157: {  	v0 =	vld.idx.msk [tilespmem:v0+s5+$0x0], $0xffff;
	_ =	sdelay $0x4  }
0x158: {  	[tilespmem:s25+$0xC0] =	vst v0  }
0x159: {  	v0 =	vld [tilespmem:s24+$0xFFFFFFE0];
	_ =	sdelay $0x7  }
0x15a: {  	v0 =	vld.idx.msk [tilespmem:v0+s5+$0x0], $0xffff;
	_ =	sdelay $0x4  }
0x15b: {  	[tilespmem:s25+$0xD0] =	vst v0  }
0x15c: {  	v0 =	vld [tilespmem:s24+$0xFFFFFFF0];
	_ =	sdelay $0x7  }
0x15d: {  	v0 =	vld.idx.msk [tilespmem:v0+s5+$0x0], $0xffff;
	_ =	sdelay $0x4  }
0x15e: {  	[tilespmem:s25+$0xE0] =	vst v0  }
0x15f: {  	v0 =	vld [tilespmem:s24+$0x0];
	_ =	sdelay $0x6  }
0x160: {  	s23 =	sadd.s32 $0x20, s23  }
0x161: {  	p0 =	slt.u32 s23, $0xE0;
	v0 =	vld.idx.msk [tilespmem:v0+s5+$0x0], $0xffff  }
.Ltmp5:
0x162: {  	_ = 	snop;
	(pc) =	sbr.rel @p0 .LBB2_11-.Ltmp5, $2  }
0x163: {  	_ =	sdelay $0x2  }
0x164: {  	s24 =	sadd.s32 $0x200, s24;
	[tilespmem:s25+$0xF0] =	vst v0;
	s25 =	sadd.s32 $0x200, s25  }
0x165: {  	s23 =	sadd.s32 s22, s8  }
0x166: {  	[hbm4b:s23+s11] =	stream.strided.scatter [tilespmem:s16], [sflag:$0x2], $0x1000, s12, s11, $0x38;
	[tilespmem:$0x1E700] =	vst v63  }
0x167: {  	_ =	swait.ge [sflag:s19], $0x1000  }
0x168: {  	s24 =	simm.s32 $0x1B8F0;
	[sflag:s19] =	ssyncset.done $0x0  }
0x169: {  	s25 =	simm.s32 $0x1D800;
	s23 =	simm.s32 $0xFFFFFFE0;
	[sflag:s19] =	ssyncadd.s32 $0xFFFFF000  }
.LBB2_13:
0x16a: {  	v0 =	vld [tilespmem:s24+$0xFFFFFE10];
	_ =	sdelay $0x7  }
0x16b: {  	v0 =	vld.idx.msk [tilespmem:v0+s5+$0x0], $0xffff;
	_ =	sdelay $0x4  }
0x16c: {  	[tilespmem:s25+$0xFFFFFF00] =	vst v0  }
0x16d: {  	v0 =	vld [tilespmem:s24+$0xFFFFFE20];
	_ =	sdelay $0x7  }
0x16e: {  	v0 =	vld.idx.msk [tilespmem:v0+s5+$0x0], $0xffff;
	_ =	sdelay $0x4  }
0x16f: {  	[tilespmem:s25+$0xFFFFFF10] =	vst v0  }
0x170: {  	v0 =	vld [tilespmem:s24+$0xFFFFFE30];
	_ =	sdelay $0x7  }
0x171: {  	v0 =	vld.idx.msk [tilespmem:v0+s5+$0x0], $0xffff;
	_ =	sdelay $0x4  }
0x172: {  	[tilespmem:s25+$0xFFFFFF20] =	vst v0  }
0x173: {  	v0 =	vld [tilespmem:s24+$0xFFFFFE40];
	_ =	sdelay $0x7  }
0x174: {  	v0 =	vld.idx.msk [tilespmem:v0+s5+$0x0], $0xffff;
	_ =	sdelay $0x4  }
0x175: {  	[tilespmem:s25+$0xFFFFFF30] =	vst v0  }
0x176: {  	v0 =	vld [tilespmem:s24+$0xFFFFFE50];
	_ =	sdelay $0x7  }
0x177: {  	v0 =	vld.idx.msk [tilespmem:v0+s5+$0x0], $0xffff;
	_ =	sdelay $0x4  }
0x178: {  	[tilespmem:s25+$0xFFFFFF40] =	vst v0  }
0x179: {  	v0 =	vld [tilespmem:s24+$0xFFFFFE60];
	_ =	sdelay $0x7  }
0x17a: {  	v0 =	vld.idx.msk [tilespmem:v0+s5+$0x0], $0xffff;
	_ =	sdelay $0x4  }
0x17b: {  	[tilespmem:s25+$0xFFFFFF50] =	vst v0  }
0x17c: {  	v0 =	vld [tilespmem:s24+$0xFFFFFE70];
	_ =	sdelay $0x7  }
0x17d: {  	v0 =	vld.idx.msk [tilespmem:v0+s5+$0x0], $0xffff;
	_ =	sdelay $0x4  }
0x17e: {  	[tilespmem:s25+$0xFFFFFF60] =	vst v0  }
0x17f: {  	v0 =	vld [tilespmem:s24+$0xFFFFFE80];
	_ =	sdelay $0x7  }
0x180: {  	v0 =	vld.idx.msk [tilespmem:v0+s5+$0x0], $0xffff;
	_ =	sdelay $0x4  }
0x181: {  	[tilespmem:s25+$0xFFFFFF70] =	vst v0  }
0x182: {  	v0 =	vld [tilespmem:s24+$0xFFFFFE90];
	_ =	sdelay $0x7  }
0x183: {  	v0 =	vld.idx.msk [tilespmem:v0+s5+$0x0], $0xffff;
	_ =	sdelay $0x4  }
0x184: {  	[tilespmem:s25+$0xFFFFFF80] =	vst v0  }
0x185: {  	v0 =	vld [tilespmem:s24+$0xFFFFFEA0];
	_ =	sdelay $0x7  }
0x186: {  	v0 =	vld.idx.msk [tilespmem:v0+s5+$0x0], $0xffff;
	_ =	sdelay $0x4  }
0x187: {  	[tilespmem:s25+$0xFFFFFF90] =	vst v0  }
0x188: {  	v0 =	vld [tilespmem:s24+$0xFFFFFEB0];
	_ =	sdelay $0x7  }
0x189: {  	v0 =	vld.idx.msk [tilespmem:v0+s5+$0x0], $0xffff;
	_ =	sdelay $0x4  }
0x18a: {  	[tilespmem:s25+$0xFFFFFFA0] =	vst v0  }
0x18b: {  	v0 =	vld [tilespmem:s24+$0xFFFFFEC0];
	_ =	sdelay $0x7  }
0x18c: {  	v0 =	vld.idx.msk [tilespmem:v0+s5+$0x0], $0xffff;
	_ =	sdelay $0x4  }
0x18d: {  	[tilespmem:s25+$0xFFFFFFB0] =	vst v0  }
0x18e: {  	v0 =	vld [tilespmem:s24+$0xFFFFFED0];
	_ =	sdelay $0x7  }
0x18f: {  	v0 =	vld.idx.msk [tilespmem:v0+s5+$0x0], $0xffff;
	_ =	sdelay $0x4  }
0x190: {  	[tilespmem:s25+$0xFFFFFFC0] =	vst v0  }
0x191: {  	v0 =	vld [tilespmem:s24+$0xFFFFFEE0];
	_ =	sdelay $0x7  }
0x192: {  	v0 =	vld.idx.msk [tilespmem:v0+s5+$0x0], $0xffff;
	_ =	sdelay $0x4  }
0x193: {  	[tilespmem:s25+$0xFFFFFFD0] =	vst v0  }
0x194: {  	v0 =	vld [tilespmem:s24+$0xFFFFFEF0];
	_ =	sdelay $0x7  }
0x195: {  	v0 =	vld.idx.msk [tilespmem:v0+s5+$0x0], $0xffff;
	_ =	sdelay $0x4  }
0x196: {  	[tilespmem:s25+$0xFFFFFFE0] =	vst v0  }
0x197: {  	v0 =	vld [tilespmem:s24+$0xFFFFFF00];
	_ =	sdelay $0x7  }
0x198: {  	v0 =	vld.idx.msk [tilespmem:v0+s5+$0x0], $0xffff;
	_ =	sdelay $0x4  }
0x199: {  	[tilespmem:s25+$0xFFFFFFF0] =	vst v0  }
0x19a: {  	v0 =	vld [tilespmem:s24+$0xFFFFFF10];
	_ =	sdelay $0x7  }
0x19b: {  	v0 =	vld.idx.msk [tilespmem:v0+s5+$0x0], $0xffff;
	_ =	sdelay $0x4  }
0x19c: {  	[tilespmem:s25+$0x0] =	vst v0  }
0x19d: {  	v0 =	vld [tilespmem:s24+$0xFFFFFF20];
	_ =	sdelay $0x7  }
0x19e: {  	v0 =	vld.idx.msk [tilespmem:v0+s5+$0x0], $0xffff;
	_ =	sdelay $0x4  }
0x19f: {  	[tilespmem:s25+$0x10] =	vst v0  }
0x1a0: {  	v0 =	vld [tilespmem:s24+$0xFFFFFF30];
	_ =	sdelay $0x7  }
0x1a1: {  	v0 =	vld.idx.msk [tilespmem:v0+s5+$0x0], $0xffff;
	_ =	sdelay $0x4  }
0x1a2: {  	[tilespmem:s25+$0x20] =	vst v0  }
0x1a3: {  	v0 =	vld [tilespmem:s24+$0xFFFFFF40];
	_ =	sdelay $0x7  }
0x1a4: {  	v0 =	vld.idx.msk [tilespmem:v0+s5+$0x0], $0xffff;
	_ =	sdelay $0x4  }
0x1a5: {  	[tilespmem:s25+$0x30] =	vst v0  }
0x1a6: {  	v0 =	vld [tilespmem:s24+$0xFFFFFF50];
	_ =	sdelay $0x7  }
0x1a7: {  	v0 =	vld.idx.msk [tilespmem:v0+s5+$0x0], $0xffff;
	_ =	sdelay $0x4  }
0x1a8: {  	[tilespmem:s25+$0x40] =	vst v0  }
0x1a9: {  	v0 =	vld [tilespmem:s24+$0xFFFFFF60];
	_ =	sdelay $0x7  }
0x1aa: {  	v0 =	vld.idx.msk [tilespmem:v0+s5+$0x0], $0xffff;
	_ =	sdelay $0x4  }
0x1ab: {  	[tilespmem:s25+$0x50] =	vst v0  }
0x1ac: {  	v0 =	vld [tilespmem:s24+$0xFFFFFF70];
	_ =	sdelay $0x7  }
0x1ad: {  	v0 =	vld.idx.msk [tilespmem:v0+s5+$0x0], $0xffff;
	_ =	sdelay $0x4  }
0x1ae: {  	[tilespmem:s25+$0x60] =	vst v0  }
0x1af: {  	v0 =	vld [tilespmem:s24+$0xFFFFFF80];
	_ =	sdelay $0x7  }
0x1b0: {  	v0 =	vld.idx.msk [tilespmem:v0+s5+$0x0], $0xffff;
	_ =	sdelay $0x4  }
0x1b1: {  	[tilespmem:s25+$0x70] =	vst v0  }
0x1b2: {  	v0 =	vld [tilespmem:s24+$0xFFFFFF90];
	_ =	sdelay $0x7  }
0x1b3: {  	v0 =	vld.idx.msk [tilespmem:v0+s5+$0x0], $0xffff;
	_ =	sdelay $0x4  }
0x1b4: {  	[tilespmem:s25+$0x80] =	vst v0  }
0x1b5: {  	v0 =	vld [tilespmem:s24+$0xFFFFFFA0];
	_ =	sdelay $0x7  }
0x1b6: {  	v0 =	vld.idx.msk [tilespmem:v0+s5+$0x0], $0xffff;
	_ =	sdelay $0x4  }
0x1b7: {  	[tilespmem:s25+$0x90] =	vst v0  }
0x1b8: {  	v0 =	vld [tilespmem:s24+$0xFFFFFFB0];
	_ =	sdelay $0x7  }
0x1b9: {  	v0 =	vld.idx.msk [tilespmem:v0+s5+$0x0], $0xffff;
	_ =	sdelay $0x4  }
0x1ba: {  	[tilespmem:s25+$0xA0] =	vst v0  }
0x1bb: {  	v0 =	vld [tilespmem:s24+$0xFFFFFFC0];
	_ =	sdelay $0x7  }
0x1bc: {  	v0 =	vld.idx.msk [tilespmem:v0+s5+$0x0], $0xffff;
	_ =	sdelay $0x4  }
0x1bd: {  	[tilespmem:s25+$0xB0] =	vst v0  }
0x1be: {  	v0 =	vld [tilespmem:s24+$0xFFFFFFD0];
	_ =	sdelay $0x7  }
0x1bf: {  	v0 =	vld.idx.msk [tilespmem:v0+s5+$0x0], $0xffff;
	_ =	sdelay $0x4  }
0x1c0: {  	[tilespmem:s25+$0xC0] =	vst v0  }
0x1c1: {  	v0 =	vld [tilespmem:s24+$0xFFFFFFE0];
	_ =	sdelay $0x7  }
0x1c2: {  	v0 =	vld.idx.msk [tilespmem:v0+s5+$0x0], $0xffff;
	_ =	sdelay $0x4  }
0x1c3: {  	[tilespmem:s25+$0xD0] =	vst v0  }
0x1c4: {  	v0 =	vld [tilespmem:s24+$0xFFFFFFF0];
	_ =	sdelay $0x7  }
0x1c5: {  	v0 =	vld.idx.msk [tilespmem:v0+s5+$0x0], $0xffff;
	_ =	sdelay $0x4  }
0x1c6: {  	[tilespmem:s25+$0xE0] =	vst v0  }
0x1c7: {  	v0 =	vld [tilespmem:s24+$0x0];
	_ =	sdelay $0x6  }
0x1c8: {  	s23 =	sadd.s32 $0x20, s23  }
0x1c9: {  	p0 =	slt.u32 s23, $0xE0;
	v0 =	vld.idx.msk [tilespmem:v0+s5+$0x0], $0xffff  }
.Ltmp6:
0x1ca: {  	_ = 	snop;
	(pc) =	sbr.rel @p0 .LBB2_13-.Ltmp6, $2  }
0x1cb: {  	_ =	sdelay $0x2  }
0x1cc: {  	s24 =	sadd.s32 $0x200, s24;
	[tilespmem:s25+$0xF0] =	vst v0;
	s25 =	sadd.s32 $0x200, s25  }
0x1cd: {  	s21 =	sadd.s32 $0x1, s21  }
0x1ce: {  	p0 =	sne.s32 s21, $0x1A  }
.Ltmp7:
0x1cf: {  	_ = 	snop;
	(pc) =	sbr.rel @p0 .LBB2_2-.Ltmp7, $3  }
0x1d0: {  	_ =	sdelay $0x1  }
0x1d1: {  	s22 =	sadd.s32 s22, s9  }
0x1d2: {  	[hbm4b:s22+s11] =	stream.strided.scatter [tilespmem:s17], [sflag:$0x3], $0x1000, s12, s11, $0x38;
	[tilespmem:$0x1E700] =	vst v63  }
0x1d3: {  	s20 =	sadd.s32 $0x1, s20  }
0x1d4: {  	_ =	swait.ge [sflag:s18], $0x1000;
	p0 =	sne.s32 s20, s10  }
.Ltmp8:
0x1d5: {  	[sflag:s18] =	ssyncset.done $0x0;
	(pc) =	sbr.rel @p0 .LBB2_1-.Ltmp8, $4  }
0x1d6: {  	[sflag:s18] =	ssyncadd.s32 $0xFFFFF000  }
0x1d7: {  	_ =	swait.ge [sflag:s19], $0x1000  }
0x1d8: {  	[sflag:s19] =	ssyncset.done $0x0  }
0x1d9: {  	[sflag:s19] =	ssyncadd.s32 $0xFFFFF000  }
0x1da: {  	_ =	sfence.sel $0x180000  }
0x1db: {  	[bflag:$0x0] =	sbarrier.arrive $0xFFFF  }
0x1dc: {  	p0 =	sne.s32 s4, $0x0;
	_ =	strace $0x90000047  }
0x1dd: {  	s0 =	sadd.s32 @!p0 $0x100000, s0;
	[bflag:$0x2] =	sbarrier.arrive $0xFFFF  }
0x1de: {  	[sflag:s0] =	ssyncadd.tile.s32 @!p0 $0x1;
	_ =	shalt  }
.Lfunc_end2:
_tile_overlayer_lowered:
.L_overlay_start_2:
0x1df: {  	(tag) =	ssettag $0x2  }
0x1e0: {  	s0 =	rddreg [dreg:$0x0];
	s2 =	stileid.u32  }
0x1e1: {  	s1 =	rddreg [dreg:$0x1];
	p0 =	sne.s32 s2, $0x0  }
0x1e2: {  	s3 =	rddreg [dreg:$0x2];
	[bflag:$0x3] =	sbarrier.arrive $0xFFFF;
	s2 =	simm.s32 @!p0 $0x1C04  }
0x1e3: {  	[timem:s3], [sflag:s2] =	dma.local @!p0 [hbm:s0], s1  }
0x1e4: {  	s0 =	simm.s32 @!p0 $0x4  }
0x1e5: {  	_ =	swait.ge @!p0 [sflag:s0], s1  }
0x1e6: {  	s1 =	ssub.s32 @!p0 $0x0, s1;
	[sflag:s0] =	ssyncset.done @!p0 $0x0  }
0x1e7: {  	[sflag:s0] =	ssyncadd.s32 @!p0 s1  }
0x1e8: {  	[bflag:$0x3] =	sbarrier.arrive $0xFFFF  }
0x1e9: {  	_ =	shalt  }

</sc_bundles>
